<compile_context>
chip_gen: v7x
topology: tpu7x:2x2x1
jax: 0.10.2.dev20260603
libtpu: 0.0.44.dev20260713+nightly
codegen_flags: <defaults>
</compile_context>

<pallas_src>
import functools

import jax
import jax.numpy as jnp
from jax import lax
from jax.experimental import pallas as pl
from jax.experimental.pallas import tpu as pltpu
from jax.experimental.pallas import tpu_sc as plsc

_INPUT_DIM = 30
_N_CAT = 26
_VOCAB = 100000
_EMB = 16
_BATCH = 4096
_N_CONT = _INPUT_DIM - _N_CAT
_TAB_ROWS = _N_CAT * _EMB
_OUT_ROWS = _TAB_ROWS + _N_CONT
_NC = 2
_NS = 16
_NW = _NC * _NS
_RPW = _TAB_ROWS // _NW
_L = 16


def _body(xt_hbm, tt_hbm, out_hbm, rowb, colb, outb, semr, semo):
    c = lax.axis_index("c")
    s = lax.axis_index("s")
    w = s * _NC + c
    r0 = w * _RPW

    def fetch(r):
        f = r // _EMB
        e = lax.rem(r, _EMB)
        pltpu.async_copy(tt_hbm.at[f].at[e], rowb, semr)

    f_first = r0 // _EMB
    fetch(r0)

    @pl.when(w < _N_CONT)
    def _():
        pltpu.sync_copy(xt_hbm.at[_N_CAT + w], colb)

        def chunk(i, cc):
            outb[pl.ds(i * _L, _L)] = colb[pl.ds(i * _L, _L)].astype(jnp.float32)
            return cc
        lax.fori_loop(0, _BATCH // _L, chunk, 0, unroll=16)
        pltpu.sync_copy(outb, out_hbm.at[_TAB_ROWS + w])

    pltpu.sync_copy(xt_hbm.at[f_first], colb)

    def do_r(j, prev_f):
        r = r0 + j
        f = r // _EMB

        @pl.when(f != prev_f)
        def _():
            pltpu.sync_copy(xt_hbm.at[f], colb)

        pltpu.make_async_copy(tt_hbm.at[0].at[0], rowb, semr).wait()

        @pl.when(j > 0)
        def _():
            pltpu.make_async_copy(outb, out_hbm.at[0], semo).wait()

        def chunk(i, cc):
            idx = colb[pl.ds(i * _L, _L)]
            outb[pl.ds(i * _L, _L)] = plsc.load_gather(rowb, [idx])
            return cc
        lax.fori_loop(0, _BATCH // _L, chunk, 0, unroll=16)

        @pl.when(j + 1 < _RPW)
        def _():
            fetch(r + 1)

        pltpu.async_copy(outb, out_hbm.at[r], semo)
        return f

    lax.fori_loop(0, _RPW, do_r, f_first)
    pltpu.make_async_copy(outb, out_hbm.at[0], semo).wait()


_emb_call = functools.partial(
    pl.kernel,
    mesh=plsc.VectorSubcoreMesh(core_axis_name="c", subcore_axis_name="s"),
    out_type=jax.ShapeDtypeStruct((_OUT_ROWS, _BATCH), jnp.float32),
    compiler_params=pltpu.CompilerParams(needs_layout_passes=False,
                                         use_tc_tiling_on_sc=True),
    scratch_types=[
        pltpu.VMEM((_VOCAB,), jnp.float32),
        pltpu.VMEM((_BATCH,), jnp.int32),
        pltpu.VMEM((_BATCH,), jnp.float32),
        pltpu.SemaphoreType.DMA,
        pltpu.SemaphoreType.DMA,
    ],
)(_body)


def kernel(x, tables):
    xt = x.T
    tt = tables.transpose(0, 2, 1)
    out_t = _emb_call(xt, tt)
    return out_t.T

# --- scband reference (transcript-rebuilt; emitter-appended) ---
"""Pipeline reference for scband-embedding-generator-48301202211244 (READ-ONLY COPY).

The authoritative reference and input builder live on the scoring server;
editing this copy changes nothing except your own understanding.
"""

import jax, jax.numpy as jnp
import numpy as np

INPUT_DIM = 30
N_CAT = 26
VOCAB = 100000
EMB_DIM = 16
BATCH = 4096


def setup_inputs(seed: int = 0) -> dict:
    key = jax.random.key(seed)
    kx, kt = jax.random.split(key)
    # x: integer codes for all 30 features; first 26 columns are categorical
    # indices in [0, VOCAB), last 4 columns are continuous (cast to float in fwd).
    x = jax.random.randint(kx, (BATCH, INPUT_DIM), 0, VOCAB, dtype=jnp.int32)
    # 26 embedding tables, each [VOCAB, EMB_DIM], stacked into one array.
    tables = jax.random.normal(kt, (N_CAT, VOCAB, EMB_DIM), dtype=jnp.float32) * 0.01
    return {"x": x, "tables": tables}


def reference(x, tables):
    # Faithful translation of EmbeddingGenerator.forward:
    # iterate over features in order; categorical -> embedding lookup,
    # continuous -> float column; concatenate along feature dim.
    cols = []
    for feat_idx in range(INPUT_DIM):
        if feat_idx < N_CAT:
            idx = x[:, feat_idx]
            cols.append(jnp.take(tables[feat_idx], idx, axis=0))
        else:
            cols.append(x[:, feat_idx].astype(jnp.float32)[:, None])
    return jnp.concatenate(cols, axis=1)

if __name__ == "__main__":
    import jax
    _d = setup_inputs()
    print(jax.jit(kernel)(*tuple(_d.values())))

</pallas_src>

<mosaic_0001>
#map = affine_map<(d0, d1) -> (0, 0)>
#map1 = affine_map<(d0, d1) -> (0, 0, 0)>
module attributes {stable_mosaic.version = 14 : i64} {
  func.func @_body(%arg0: i32, %arg1: i32, %arg2: memref<30x4096xi32, #tpu.memory_space<hbm>>, %arg3: memref<26x16x100000xf32, #tpu.memory_space<hbm>>, %arg4: memref<420x4096xf32, #tpu.memory_space<hbm>>, %arg5: memref<100000xf32, #tpu.memory_space<vmem>>, %arg6: memref<4096xi32, #tpu.memory_space<vmem>>, %arg7: memref<4096xf32, #tpu.memory_space<vmem>>, %arg8: memref<!tpu.dma_semaphore, #tpu.memory_space<semaphore_mem>>, %arg9: memref<!tpu.dma_semaphore, #tpu.memory_space<semaphore_mem>>) attributes {dimension_semantics = [#tpu.dimension_semantics<core_parallel>, #tpu.dimension_semantics<subcore_parallel>], iteration_bounds = array<i64: 2, 16>, scalar_prefetch = 0 : i64, scratch_operands = 5 : i64, tpu.core_type = #tpu.core_type<sc_vector_subcore>, window_params = [{transform_indices = #map}, {transform_indices = #map1}, {transform_indices = #map}]} {
    %mul3A = arith.constant 2 : i32
    %mul3A_0 = arith.muli %arg1, %mul3A : i32
    %add3A = arith.addi %mul3A_0, %arg0 : i32
    %mul3A_1 = arith.constant 13 : i32
    %mul3A_2 = arith.muli %add3A, %mul3A_1 : i32
    %jit3A = arith.constant 16 : i32
    %div3A = arith.divsi %mul3A_2, %jit3A : i32
    %sign3A = arith.constant 0 : i32
    %sign3A_3 = arith.cmpi sgt, %mul3A_2, %sign3A : i32
    %sign3A_4 = arith.extui %sign3A_3 : i1 to i32
    %sign3A_5 = arith.constant 0 : i32
    %sign3A_6 = arith.cmpi slt, %mul3A_2, %sign3A_5 : i32
    %sign3A_7 = arith.extui %sign3A_6 : i1 to i32
    %sign3A_8 = arith.subi %sign3A_4, %sign3A_7 : i32
    %sign3A_9 = arith.constant 0 : i32
    %sign3A_10 = arith.cmpi sgt, %jit3A, %sign3A_9 : i32
    %sign3A_11 = arith.extui %sign3A_10 : i1 to i32
    %sign3A_12 = arith.constant 0 : i32
    %sign3A_13 = arith.cmpi slt, %jit3A, %sign3A_12 : i32
    %sign3A_14 = arith.extui %sign3A_13 : i1 to i32
    %sign3A_15 = arith.subi %sign3A_11, %sign3A_14 : i32
    %ne3A = arith.cmpi ne, %sign3A_8, %sign3A_15 : i32
    %rem3A = arith.remsi %mul3A_2, %jit3A : i32
    %ne3A_16 = arith.constant 0 : i32
    %ne3A_17 = arith.cmpi ne, %rem3A, %ne3A_16 : i32
    %and3A = arith.andi %ne3A, %ne3A_17 : i1
    %sub3A = arith.constant 1 : i32
    %sub3A_18 = arith.subi %div3A, %sub3A : i32
    %select_n3A = arith.select %and3A, %sub3A_18, %div3A : i32
    %jit3A_19 = arith.constant 16 : i32
    %div3A_20 = arith.divsi %mul3A_2, %jit3A_19 : i32
    %sign3A_21 = arith.constant 0 : i32
    %sign3A_22 = arith.cmpi sgt, %mul3A_2, %sign3A_21 : i32
    %sign3A_23 = arith.extui %sign3A_22 : i1 to i32
    %sign3A_24 = arith.constant 0 : i32
    %sign3A_25 = arith.cmpi slt, %mul3A_2, %sign3A_24 : i32
    %sign3A_26 = arith.extui %sign3A_25 : i1 to i32
    %sign3A_27 = arith.subi %sign3A_23, %sign3A_26 : i32
    %sign3A_28 = arith.constant 0 : i32
    %sign3A_29 = arith.cmpi sgt, %jit3A_19, %sign3A_28 : i32
    %sign3A_30 = arith.extui %sign3A_29 : i1 to i32
    %sign3A_31 = arith.constant 0 : i32
    %sign3A_32 = arith.cmpi slt, %jit3A_19, %sign3A_31 : i32
    %sign3A_33 = arith.extui %sign3A_32 : i1 to i32
    %sign3A_34 = arith.subi %sign3A_30, %sign3A_33 : i32
    %ne3A_35 = arith.cmpi ne, %sign3A_27, %sign3A_34 : i32
    %rem3A_36 = arith.remsi %mul3A_2, %jit3A_19 : i32
    %ne3A_37 = arith.constant 0 : i32
    %ne3A_38 = arith.cmpi ne, %rem3A_36, %ne3A_37 : i32
    %and3A_39 = arith.andi %ne3A_35, %ne3A_38 : i1
    %sub3A_40 = arith.constant 1 : i32
    %sub3A_41 = arith.subi %div3A_20, %sub3A_40 : i32
    %select_n3A_42 = arith.select %and3A_39, %sub3A_41, %div3A_20 : i32
    %rem3A_43 = arith.constant 16 : i32
    %rem3A_44 = arith.remsi %mul3A_2, %rem3A_43 : i32
    %dma_start3A = arith.constant 0 : i32
    %dma_start3A_45 = arith.constant 0 : i32
    %dma_start3A_46 = tpu.memref_slice %arg3[%select_n3A_42, %dma_start3A, %dma_start3A_45] : memref<26x16x100000xf32, #tpu.memory_space<hbm>> -> memref<1x16x100000xf32, #tpu.memory_space<hbm>>
    %dma_start3A_47 = tpu.memref_squeeze %dma_start3A_46 : memref<1x16x100000xf32, #tpu.memory_space<hbm>> -> memref<16x100000xf32, #tpu.memory_space<hbm>>
    %dma_start3A_48 = arith.constant 0 : i32
    %dma_start3A_49 = tpu.memref_slice %dma_start3A_47[%rem3A_44, %dma_start3A_48] : memref<16x100000xf32, #tpu.memory_space<hbm>> -> memref<1x100000xf32, #tpu.memory_space<hbm>>
    %dma_start3A_50 = tpu.memref_squeeze %dma_start3A_49 : memref<1x100000xf32, #tpu.memory_space<hbm>> -> memref<100000xf32, #tpu.memory_space<hbm>>
    %dma_start3A_51 = arith.constant 0 : i32
    %dma_start3A_52 = arith.constant 0 : i32
    %dma_start3A_53 = tpu.memref_slice %arg3[%select_n3A_42, %dma_start3A_51, %dma_start3A_52] : memref<26x16x100000xf32, #tpu.memory_space<hbm>> -> memref<1x16x100000xf32, #tpu.memory_space<hbm>>
    %dma_start3A_54 = tpu.memref_squeeze %dma_start3A_53 : memref<1x16x100000xf32, #tpu.memory_space<hbm>> -> memref<16x100000xf32, #tpu.memory_space<hbm>>
    %dma_start3A_55 = arith.constant 0 : i32
    %dma_start3A_56 = tpu.memref_slice %dma_start3A_54[%rem3A_44, %dma_start3A_55] : memref<16x100000xf32, #tpu.memory_space<hbm>> -> memref<1x100000xf32, #tpu.memory_space<hbm>>
    %dma_start3A_57 = tpu.memref_squeeze %dma_start3A_56 : memref<1x100000xf32, #tpu.memory_space<hbm>> -> memref<100000xf32, #tpu.memory_space<hbm>>
    tpu.enqueue_dma source(%dma_start3A_57 : memref<100000xf32, #tpu.memory_space<hbm>>) target(%arg5 : memref<100000xf32, #tpu.memory_space<vmem>>) target_semaphore(%arg8 : memref<!tpu.dma_semaphore, #tpu.memory_space<semaphore_mem>>)
    %lt3A = arith.constant 4 : i32
    %lt3A_58 = arith.cmpi slt, %add3A, %lt3A : i32
    %convert_element_type3A = arith.extui %lt3A_58 : i1 to i32
    %cond3A = arith.constant 0 : i32
    %cond3A_59 = arith.cmpi ne, %convert_element_type3A, %cond3A : i32
    scf.if %cond3A_59 {
      %add3A_71 = arith.constant 26 : i32
      %add3A_72 = arith.addi %add3A_71, %add3A : i32
      "tpu.region"() ({
        %run_scoped3A = tpu.sem_alloc : memref<!tpu.dma_semaphore, #tpu.memory_space<semaphore_mem>>
        %dma_start3A_81 = arith.constant 0 : i32
        %dma_start3A_82 = tpu.memref_slice %arg2[%add3A_72, %dma_start3A_81] : memref<30x4096xi32, #tpu.memory_space<hbm>> -> memref<1x4096xi32, #tpu.memory_space<hbm>>
        %dma_start3A_83 = tpu.memref_squeeze %dma_start3A_82 : memref<1x4096xi32, #tpu.memory_space<hbm>> -> memref<4096xi32, #tpu.memory_space<hbm>>
        %dma_start3A_84 = arith.constant 0 : i32
        %dma_start3A_85 = tpu.memref_slice %arg2[%add3A_72, %dma_start3A_84] : memref<30x4096xi32, #tpu.memory_space<hbm>> -> memref<1x4096xi32, #tpu.memory_space<hbm>>
        %dma_start3A_86 = tpu.memref_squeeze %dma_start3A_85 : memref<1x4096xi32, #tpu.memory_space<hbm>> -> memref<4096xi32, #tpu.memory_space<hbm>>
        tpu.enqueue_dma source(%dma_start3A_86 : memref<4096xi32, #tpu.memory_space<hbm>>) target(%arg6 : memref<4096xi32, #tpu.memory_space<vmem>>) target_semaphore(%run_scoped3A : memref<!tpu.dma_semaphore, #tpu.memory_space<semaphore_mem>>)
        %dma_wait3A_87 = arith.constant 0 : i32
        %dma_wait3A_88 = tpu.memref_slice %arg2[%add3A_72, %dma_wait3A_87] : memref<30x4096xi32, #tpu.memory_space<hbm>> -> memref<1x4096xi32, #tpu.memory_space<hbm>>
        %dma_wait3A_89 = tpu.memref_squeeze %dma_wait3A_88 : memref<1x4096xi32, #tpu.memory_space<hbm>> -> memref<4096xi32, #tpu.memory_space<hbm>>
        %dma_wait3A_90 = arith.constant 0 : i32
        %dma_wait3A_91 = tpu.memref_slice %arg2[%add3A_72, %dma_wait3A_90] : memref<30x4096xi32, #tpu.memory_space<hbm>> -> memref<1x4096xi32, #tpu.memory_space<hbm>>
        %dma_wait3A_92 = tpu.memref_squeeze %dma_wait3A_91 : memref<1x4096xi32, #tpu.memory_space<hbm>> -> memref<4096xi32, #tpu.memory_space<hbm>>
        tpu.wait_dma2 semaphore(%run_scoped3A : memref<!tpu.dma_semaphore, #tpu.memory_space<semaphore_mem>>) src(%dma_wait3A_92 : memref<4096xi32, #tpu.memory_space<hbm>>) dst(%arg6 : memref<4096xi32, #tpu.memory_space<vmem>>)
        tpu.yield
      }) : () -> ()
      %scan3A_73 = arith.constant 0 : i32
      %scan3A_74 = arith.constant 0 : i32
      %scan3A_75 = arith.constant 256 : i32
      %scan3A_76 = arith.addi %scan3A_74, %scan3A_75 : i32
      %scan3A_77 = arith.constant 16 : i32
      scf.for %scan3A_81 = %scan3A_74 to %scan3A_76 step %scan3A_77  : i32 {
        %mul3A_82 = arith.constant 16 : i32
        %mul3A_83 = arith.muli %scan3A_81, %mul3A_82 : i32
        %get3A = arith.index_cast %mul3A_83 : i32 to index
        %get3A_84 = tpu.vector_load %arg6[%get3A] {strides = array<i32>} : memref<4096xi32, #tpu.memory_space<vmem>>, vector<16xi32>,
        %convert_element_type3A_85 = arith.sitofp %get3A_84 : vector<16xi32> to vector<16xf32>
        %mul3A_86 = arith.constant 16 : i32
        %mul3A_87 = arith.muli %scan3A_81, %mul3A_86 : i32
        %swap3A = arith.index_cast %mul3A_87 : i32 to index
        %swap3A_88 = tpu.vector_load %arg7[%swap3A] {strides = array<i32>} : memref<4096xf32, #tpu.memory_space<vmem>>, vector<16xf32>,
        tpu.vector_store %arg7[%swap3A], %convert_element_type3A_85 {strides = array<i32>} : memref<4096xf32, #tpu.memory_space<vmem>>, vector<16xf32>,
        %scan3A_89 = arith.constant 1 : i32
        %scan3A_90 = arith.addi %scan3A_81, %scan3A_89 : i32
        %mul3A_91 = arith.constant 16 : i32
        %mul3A_92 = arith.muli %scan3A_90, %mul3A_91 : i32
        %get3A_93 = arith.index_cast %mul3A_92 : i32 to index
        %get3A_94 = tpu.vector_load %arg6[%get3A_93] {strides = array<i32>} : memref<4096xi32, #tpu.memory_space<vmem>>, vector<16xi32>,
        %convert_element_type3A_95 = arith.sitofp %get3A_94 : vector<16xi32> to vector<16xf32>
        %mul3A_96 = arith.constant 16 : i32
        %mul3A_97 = arith.muli %scan3A_90, %mul3A_96 : i32
        %swap3A_98 = arith.index_cast %mul3A_97 : i32 to index
        %swap3A_99 = tpu.vector_load %arg7[%swap3A_98] {strides = array<i32>} : memref<4096xf32, #tpu.memory_space<vmem>>, vector<16xf32>,
        tpu.vector_store %arg7[%swap3A_98], %convert_element_type3A_95 {strides = array<i32>} : memref<4096xf32, #tpu.memory_space<vmem>>, vector<16xf32>,
        %scan3A_100 = arith.constant 2 : i32
        %scan3A_101 = arith.addi %scan3A_81, %scan3A_100 : i32
        %mul3A_102 = arith.constant 16 : i32
        %mul3A_103 = arith.muli %scan3A_101, %mul3A_102 : i32
        %get3A_104 = arith.index_cast %mul3A_103 : i32 to index
        %get3A_105 = tpu.vector_load %arg6[%get3A_104] {strides = array<i32>} : memref<4096xi32, #tpu.memory_space<vmem>>, vector<16xi32>,
        %convert_element_type3A_106 = arith.sitofp %get3A_105 : vector<16xi32> to vector<16xf32>
        %mul3A_107 = arith.constant 16 : i32
        %mul3A_108 = arith.muli %scan3A_101, %mul3A_107 : i32
        %swap3A_109 = arith.index_cast %mul3A_108 : i32 to index
        %swap3A_110 = tpu.vector_load %arg7[%swap3A_109] {strides = array<i32>} : memref<4096xf32, #tpu.memory_space<vmem>>, vector<16xf32>,
        tpu.vector_store %arg7[%swap3A_109], %convert_element_type3A_106 {strides = array<i32>} : memref<4096xf32, #tpu.memory_space<vmem>>, vector<16xf32>,
        %scan3A_111 = arith.constant 3 : i32
        %scan3A_112 = arith.addi %scan3A_81, %scan3A_111 : i32
        %mul3A_113 = arith.constant 16 : i32
        %mul3A_114 = arith.muli %scan3A_112, %mul3A_113 : i32
        %get3A_115 = arith.index_cast %mul3A_114 : i32 to index
        %get3A_116 = tpu.vector_load %arg6[%get3A_115] {strides = array<i32>} : memref<4096xi32, #tpu.memory_space<vmem>>, vector<16xi32>,
        %convert_element_type3A_117 = arith.sitofp %get3A_116 : vector<16xi32> to vector<16xf32>
        %mul3A_118 = arith.constant 16 : i32
        %mul3A_119 = arith.muli %scan3A_112, %mul3A_118 : i32
        %swap3A_120 = arith.index_cast %mul3A_119 : i32 to index
        %swap3A_121 = tpu.vector_load %arg7[%swap3A_120] {strides = array<i32>} : memref<4096xf32, #tpu.memory_space<vmem>>, vector<16xf32>,
        tpu.vector_store %arg7[%swap3A_120], %convert_element_type3A_117 {strides = array<i32>} : memref<4096xf32, #tpu.memory_space<vmem>>, vector<16xf32>,
        %scan3A_122 = arith.constant 4 : i32
        %scan3A_123 = arith.addi %scan3A_81, %scan3A_122 : i32
        %mul3A_124 = arith.constant 16 : i32
        %mul3A_125 = arith.muli %scan3A_123, %mul3A_124 : i32
        %get3A_126 = arith.index_cast %mul3A_125 : i32 to index
        %get3A_127 = tpu.vector_load %arg6[%get3A_126] {strides = array<i32>} : memref<4096xi32, #tpu.memory_space<vmem>>, vector<16xi32>,
        %convert_element_type3A_128 = arith.sitofp %get3A_127 : vector<16xi32> to vector<16xf32>
        %mul3A_129 = arith.constant 16 : i32
        %mul3A_130 = arith.muli %scan3A_123, %mul3A_129 : i32
        %swap3A_131 = arith.index_cast %mul3A_130 : i32 to index
        %swap3A_132 = tpu.vector_load %arg7[%swap3A_131] {strides = array<i32>} : memref<4096xf32, #tpu.memory_space<vmem>>, vector<16xf32>,
        tpu.vector_store %arg7[%swap3A_131], %convert_element_type3A_128 {strides = array<i32>} : memref<4096xf32, #tpu.memory_space<vmem>>, vector<16xf32>,
        %scan3A_133 = arith.constant 5 : i32
        %scan3A_134 = arith.addi %scan3A_81, %scan3A_133 : i32
        %mul3A_135 = arith.constant 16 : i32
        %mul3A_136 = arith.muli %scan3A_134, %mul3A_135 : i32
        %get3A_137 = arith.index_cast %mul3A_136 : i32 to index
        %get3A_138 = tpu.vector_load %arg6[%get3A_137] {strides = array<i32>} : memref<4096xi32, #tpu.memory_space<vmem>>, vector<16xi32>,
        %convert_element_type3A_139 = arith.sitofp %get3A_138 : vector<16xi32> to vector<16xf32>
        %mul3A_140 = arith.constant 16 : i32
        %mul3A_141 = arith.muli %scan3A_134, %mul3A_140 : i32
        %swap3A_142 = arith.index_cast %mul3A_141 : i32 to index
        %swap3A_143 = tpu.vector_load %arg7[%swap3A_142] {strides = array<i32>} : memref<4096xf32, #tpu.memory_space<vmem>>, vector<16xf32>,
        tpu.vector_store %arg7[%swap3A_142], %convert_element_type3A_139 {strides = array<i32>} : memref<4096xf32, #tpu.memory_space<vmem>>, vector<16xf32>,
        %scan3A_144 = arith.constant 6 : i32
        %scan3A_145 = arith.addi %scan3A_81, %scan3A_144 : i32
        %mul3A_146 = arith.constant 16 : i32
        %mul3A_147 = arith.muli %scan3A_145, %mul3A_146 : i32
        %get3A_148 = arith.index_cast %mul3A_147 : i32 to index
        %get3A_149 = tpu.vector_load %arg6[%get3A_148] {strides = array<i32>} : memref<4096xi32, #tpu.memory_space<vmem>>, vector<16xi32>,
        %convert_element_type3A_150 = arith.sitofp %get3A_149 : vector<16xi32> to vector<16xf32>
        %mul3A_151 = arith.constant 16 : i32
        %mul3A_152 = arith.muli %scan3A_145, %mul3A_151 : i32
        %swap3A_153 = arith.index_cast %mul3A_152 : i32 to index
        %swap3A_154 = tpu.vector_load %arg7[%swap3A_153] {strides = array<i32>} : memref<4096xf32, #tpu.memory_space<vmem>>, vector<16xf32>,
        tpu.vector_store %arg7[%swap3A_153], %convert_element_type3A_150 {strides = array<i32>} : memref<4096xf32, #tpu.memory_space<vmem>>, vector<16xf32>,
        %scan3A_155 = arith.constant 7 : i32
        %scan3A_156 = arith.addi %scan3A_81, %scan3A_155 : i32
        %mul3A_157 = arith.constant 16 : i32
        %mul3A_158 = arith.muli %scan3A_156, %mul3A_157 : i32
        %get3A_159 = arith.index_cast %mul3A_158 : i32 to index
        %get3A_160 = tpu.vector_load %arg6[%get3A_159] {strides = array<i32>} : memref<4096xi32, #tpu.memory_space<vmem>>, vector<16xi32>,
        %convert_element_type3A_161 = arith.sitofp %get3A_160 : vector<16xi32> to vector<16xf32>
        %mul3A_162 = arith.constant 16 : i32
        %mul3A_163 = arith.muli %scan3A_156, %mul3A_162 : i32
        %swap3A_164 = arith.index_cast %mul3A_163 : i32 to index
        %swap3A_165 = tpu.vector_load %arg7[%swap3A_164] {strides = array<i32>} : memref<4096xf32, #tpu.memory_space<vmem>>, vector<16xf32>,
        tpu.vector_store %arg7[%swap3A_164], %convert_element_type3A_161 {strides = array<i32>} : memref<4096xf32, #tpu.memory_space<vmem>>, vector<16xf32>,
        %scan3A_166 = arith.constant 8 : i32
        %scan3A_167 = arith.addi %scan3A_81, %scan3A_166 : i32
        %mul3A_168 = arith.constant 16 : i32
        %mul3A_169 = arith.muli %scan3A_167, %mul3A_168 : i32
        %get3A_170 = arith.index_cast %mul3A_169 : i32 to index
        %get3A_171 = tpu.vector_load %arg6[%get3A_170] {strides = array<i32>} : memref<4096xi32, #tpu.memory_space<vmem>>, vector<16xi32>,
        %convert_element_type3A_172 = arith.sitofp %get3A_171 : vector<16xi32> to vector<16xf32>
        %mul3A_173 = arith.constant 16 : i32
        %mul3A_174 = arith.muli %scan3A_167, %mul3A_173 : i32
        %swap3A_175 = arith.index_cast %mul3A_174 : i32 to index
        %swap3A_176 = tpu.vector_load %arg7[%swap3A_175] {strides = array<i32>} : memref<4096xf32, #tpu.memory_space<vmem>>, vector<16xf32>,
        tpu.vector_store %arg7[%swap3A_175], %convert_element_type3A_172 {strides = array<i32>} : memref<4096xf32, #tpu.memory_space<vmem>>, vector<16xf32>,
        %scan3A_177 = arith.constant 9 : i32
        %scan3A_178 = arith.addi %scan3A_81, %scan3A_177 : i32
        %mul3A_179 = arith.constant 16 : i32
        %mul3A_180 = arith.muli %scan3A_178, %mul3A_179 : i32
        %get3A_181 = arith.index_cast %mul3A_180 : i32 to index
        %get3A_182 = tpu.vector_load %arg6[%get3A_181] {strides = array<i32>} : memref<4096xi32, #tpu.memory_space<vmem>>, vector<16xi32>,
        %convert_element_type3A_183 = arith.sitofp %get3A_182 : vector<16xi32> to vector<16xf32>
        %mul3A_184 = arith.constant 16 : i32
        %mul3A_185 = arith.muli %scan3A_178, %mul3A_184 : i32
        %swap3A_186 = arith.index_cast %mul3A_185 : i32 to index
        %swap3A_187 = tpu.vector_load %arg7[%swap3A_186] {strides = array<i32>} : memref<4096xf32, #tpu.memory_space<vmem>>, vector<16xf32>,
        tpu.vector_store %arg7[%swap3A_186], %convert_element_type3A_183 {strides = array<i32>} : memref<4096xf32, #tpu.memory_space<vmem>>, vector<16xf32>,
        %scan3A_188 = arith.constant 10 : i32
        %scan3A_189 = arith.addi %scan3A_81, %scan3A_188 : i32
        %mul3A_190 = arith.constant 16 : i32
        %mul3A_191 = arith.muli %scan3A_189, %mul3A_190 : i32
        %get3A_192 = arith.index_cast %mul3A_191 : i32 to index
        %get3A_193 = tpu.vector_load %arg6[%get3A_192] {strides = array<i32>} : memref<4096xi32, #tpu.memory_space<vmem>>, vector<16xi32>,
        %convert_element_type3A_194 = arith.sitofp %get3A_193 : vector<16xi32> to vector<16xf32>
        %mul3A_195 = arith.constant 16 : i32
        %mul3A_196 = arith.muli %scan3A_189, %mul3A_195 : i32
        %swap3A_197 = arith.index_cast %mul3A_196 : i32 to index
        %swap3A_198 = tpu.vector_load %arg7[%swap3A_197] {strides = array<i32>} : memref<4096xf32, #tpu.memory_space<vmem>>, vector<16xf32>,
        tpu.vector_store %arg7[%swap3A_197], %convert_element_type3A_194 {strides = array<i32>} : memref<4096xf32, #tpu.memory_space<vmem>>, vector<16xf32>,
        %scan3A_199 = arith.constant 11 : i32
        %scan3A_200 = arith.addi %scan3A_81, %scan3A_199 : i32
        %mul3A_201 = arith.constant 16 : i32
        %mul3A_202 = arith.muli %scan3A_200, %mul3A_201 : i32
        %get3A_203 = arith.index_cast %mul3A_202 : i32 to index
        %get3A_204 = tpu.vector_load %arg6[%get3A_203] {strides = array<i32>} : memref<4096xi32, #tpu.memory_space<vmem>>, vector<16xi32>,
        %convert_element_type3A_205 = arith.sitofp %get3A_204 : vector<16xi32> to vector<16xf32>
        %mul3A_206 = arith.constant 16 : i32
        %mul3A_207 = arith.muli %scan3A_200, %mul3A_206 : i32
        %swap3A_208 = arith.index_cast %mul3A_207 : i32 to index
        %swap3A_209 = tpu.vector_load %arg7[%swap3A_208] {strides = array<i32>} : memref<4096xf32, #tpu.memory_space<vmem>>, vector<16xf32>,
        tpu.vector_store %arg7[%swap3A_208], %convert_element_type3A_205 {strides = array<i32>} : memref<4096xf32, #tpu.memory_space<vmem>>, vector<16xf32>,
        %scan3A_210 = arith.constant 12 : i32
        %scan3A_211 = arith.addi %scan3A_81, %scan3A_210 : i32
        %mul3A_212 = arith.constant 16 : i32
        %mul3A_213 = arith.muli %scan3A_211, %mul3A_212 : i32
        %get3A_214 = arith.index_cast %mul3A_213 : i32 to index
        %get3A_215 = tpu.vector_load %arg6[%get3A_214] {strides = array<i32>} : memref<4096xi32, #tpu.memory_space<vmem>>, vector<16xi32>,
        %convert_element_type3A_216 = arith.sitofp %get3A_215 : vector<16xi32> to vector<16xf32>
        %mul3A_217 = arith.constant 16 : i32
        %mul3A_218 = arith.muli %scan3A_211, %mul3A_217 : i32
        %swap3A_219 = arith.index_cast %mul3A_218 : i32 to index
        %swap3A_220 = tpu.vector_load %arg7[%swap3A_219] {strides = array<i32>} : memref<4096xf32, #tpu.memory_space<vmem>>, vector<16xf32>,
        tpu.vector_store %arg7[%swap3A_219], %convert_element_type3A_216 {strides = array<i32>} : memref<4096xf32, #tpu.memory_space<vmem>>, vector<16xf32>,
        %scan3A_221 = arith.constant 13 : i32
        %scan3A_222 = arith.addi %scan3A_81, %scan3A_221 : i32
        %mul3A_223 = arith.constant 16 : i32
        %mul3A_224 = arith.muli %scan3A_222, %mul3A_223 : i32
        %get3A_225 = arith.index_cast %mul3A_224 : i32 to index
        %get3A_226 = tpu.vector_load %arg6[%get3A_225] {strides = array<i32>} : memref<4096xi32, #tpu.memory_space<vmem>>, vector<16xi32>,
        %convert_element_type3A_227 = arith.sitofp %get3A_226 : vector<16xi32> to vector<16xf32>
        %mul3A_228 = arith.constant 16 : i32
        %mul3A_229 = arith.muli %scan3A_222, %mul3A_228 : i32
        %swap3A_230 = arith.index_cast %mul3A_229 : i32 to index
        %swap3A_231 = tpu.vector_load %arg7[%swap3A_230] {strides = array<i32>} : memref<4096xf32, #tpu.memory_space<vmem>>, vector<16xf32>,
        tpu.vector_store %arg7[%swap3A_230], %convert_element_type3A_227 {strides = array<i32>} : memref<4096xf32, #tpu.memory_space<vmem>>, vector<16xf32>,
        %scan3A_232 = arith.constant 14 : i32
        %scan3A_233 = arith.addi %scan3A_81, %scan3A_232 : i32
        %mul3A_234 = arith.constant 16 : i32
        %mul3A_235 = arith.muli %scan3A_233, %mul3A_234 : i32
        %get3A_236 = arith.index_cast %mul3A_235 : i32 to index
        %get3A_237 = tpu.vector_load %arg6[%get3A_236] {strides = array<i32>} : memref<4096xi32, #tpu.memory_space<vmem>>, vector<16xi32>,
        %convert_element_type3A_238 = arith.sitofp %get3A_237 : vector<16xi32> to vector<16xf32>
        %mul3A_239 = arith.constant 16 : i32
        %mul3A_240 = arith.muli %scan3A_233, %mul3A_239 : i32
        %swap3A_241 = arith.index_cast %mul3A_240 : i32 to index
        %swap3A_242 = tpu.vector_load %arg7[%swap3A_241] {strides = array<i32>} : memref<4096xf32, #tpu.memory_space<vmem>>, vector<16xf32>,
        tpu.vector_store %arg7[%swap3A_241], %convert_element_type3A_238 {strides = array<i32>} : memref<4096xf32, #tpu.memory_space<vmem>>, vector<16xf32>,
        %scan3A_243 = arith.constant 15 : i32
        %scan3A_244 = arith.addi %scan3A_81, %scan3A_243 : i32
        %mul3A_245 = arith.constant 16 : i32
        %mul3A_246 = arith.muli %scan3A_244, %mul3A_245 : i32
        %get3A_247 = arith.index_cast %mul3A_246 : i32 to index
        %get3A_248 = tpu.vector_load %arg6[%get3A_247] {strides = array<i32>} : memref<4096xi32, #tpu.memory_space<vmem>>, vector<16xi32>,
        %convert_element_type3A_249 = arith.sitofp %get3A_248 : vector<16xi32> to vector<16xf32>
        %mul3A_250 = arith.constant 16 : i32
        %mul3A_251 = arith.muli %scan3A_244, %mul3A_250 : i32
        %swap3A_252 = arith.index_cast %mul3A_251 : i32 to index
        %swap3A_253 = tpu.vector_load %arg7[%swap3A_252] {strides = array<i32>} : memref<4096xf32, #tpu.memory_space<vmem>>, vector<16xf32>,
        tpu.vector_store %arg7[%swap3A_252], %convert_element_type3A_249 {strides = array<i32>} : memref<4096xf32, #tpu.memory_space<vmem>>, vector<16xf32>,
      }
      %scan3A_78 = arith.constant 256 : i32
      %add3A_79 = arith.constant 416 : i32
      %add3A_80 = arith.addi %add3A_79, %add3A : i32
      "tpu.region"() ({
        %run_scoped3A = tpu.sem_alloc : memref<!tpu.dma_semaphore, #tpu.memory_space<semaphore_mem>>
        %dma_start3A_81 = arith.constant 0 : i32
        %dma_start3A_82 = tpu.memref_slice %arg4[%add3A_80, %dma_start3A_81] : memref<420x4096xf32, #tpu.memory_space<hbm>> -> memref<1x4096xf32, #tpu.memory_space<hbm>>
        %dma_start3A_83 = tpu.memref_squeeze %dma_start3A_82 : memref<1x4096xf32, #tpu.memory_space<hbm>> -> memref<4096xf32, #tpu.memory_space<hbm>>
        %dma_start3A_84 = arith.constant 0 : i32
        %dma_start3A_85 = tpu.memref_slice %arg4[%add3A_80, %dma_start3A_84] : memref<420x4096xf32, #tpu.memory_space<hbm>> -> memref<1x4096xf32, #tpu.memory_space<hbm>>
        %dma_start3A_86 = tpu.memref_squeeze %dma_start3A_85 : memref<1x4096xf32, #tpu.memory_space<hbm>> -> memref<4096xf32, #tpu.memory_space<hbm>>
        tpu.enqueue_dma source(%arg7 : memref<4096xf32, #tpu.memory_space<vmem>>) target(%dma_start3A_86 : memref<4096xf32, #tpu.memory_space<hbm>>) target_semaphore(%run_scoped3A : memref<!tpu.dma_semaphore, #tpu.memory_space<semaphore_mem>>)
        %dma_wait3A_87 = arith.constant 0 : i32
        %dma_wait3A_88 = tpu.memref_slice %arg4[%add3A_80, %dma_wait3A_87] : memref<420x4096xf32, #tpu.memory_space<hbm>> -> memref<1x4096xf32, #tpu.memory_space<hbm>>
        %dma_wait3A_89 = tpu.memref_squeeze %dma_wait3A_88 : memref<1x4096xf32, #tpu.memory_space<hbm>> -> memref<4096xf32, #tpu.memory_space<hbm>>
        %dma_wait3A_90 = arith.constant 0 : i32
        %dma_wait3A_91 = tpu.memref_slice %arg4[%add3A_80, %dma_wait3A_90] : memref<420x4096xf32, #tpu.memory_space<hbm>> -> memref<1x4096xf32, #tpu.memory_space<hbm>>
        %dma_wait3A_92 = tpu.memref_squeeze %dma_wait3A_91 : memref<1x4096xf32, #tpu.memory_space<hbm>> -> memref<4096xf32, #tpu.memory_space<hbm>>
        tpu.wait_dma2 semaphore(%run_scoped3A : memref<!tpu.dma_semaphore, #tpu.memory_space<semaphore_mem>>) src(%arg7 : memref<4096xf32, #tpu.memory_space<vmem>>) dst(%dma_wait3A_92 : memref<4096xf32, #tpu.memory_space<hbm>>)
        tpu.yield
      }) : () -> ()
    } else {
    }
    "tpu.region"() ({
      %run_scoped3A = tpu.sem_alloc : memref<!tpu.dma_semaphore, #tpu.memory_space<semaphore_mem>>
      %dma_start3A_71 = arith.constant 0 : i32
      %dma_start3A_72 = tpu.memref_slice %arg2[%select_n3A, %dma_start3A_71] : memref<30x4096xi32, #tpu.memory_space<hbm>> -> memref<1x4096xi32, #tpu.memory_space<hbm>>
      %dma_start3A_73 = tpu.memref_squeeze %dma_start3A_72 : memref<1x4096xi32, #tpu.memory_space<hbm>> -> memref<4096xi32, #tpu.memory_space<hbm>>
      %dma_start3A_74 = arith.constant 0 : i32
      %dma_start3A_75 = tpu.memref_slice %arg2[%select_n3A, %dma_start3A_74] : memref<30x4096xi32, #tpu.memory_space<hbm>> -> memref<1x4096xi32, #tpu.memory_space<hbm>>
      %dma_start3A_76 = tpu.memref_squeeze %dma_start3A_75 : memref<1x4096xi32, #tpu.memory_space<hbm>> -> memref<4096xi32, #tpu.memory_space<hbm>>
      tpu.enqueue_dma source(%dma_start3A_76 : memref<4096xi32, #tpu.memory_space<hbm>>) target(%arg6 : memref<4096xi32, #tpu.memory_space<vmem>>) target_semaphore(%run_scoped3A : memref<!tpu.dma_semaphore, #tpu.memory_space<semaphore_mem>>)
      %dma_wait3A_77 = arith.constant 0 : i32
      %dma_wait3A_78 = tpu.memref_slice %arg2[%select_n3A, %dma_wait3A_77] : memref<30x4096xi32, #tpu.memory_space<hbm>> -> memref<1x4096xi32, #tpu.memory_space<hbm>>
      %dma_wait3A_79 = tpu.memref_squeeze %dma_wait3A_78 : memref<1x4096xi32, #tpu.memory_space<hbm>> -> memref<4096xi32, #tpu.memory_space<hbm>>
      %dma_wait3A_80 = arith.constant 0 : i32
      %dma_wait3A_81 = tpu.memref_slice %arg2[%select_n3A, %dma_wait3A_80] : memref<30x4096xi32, #tpu.memory_space<hbm>> -> memref<1x4096xi32, #tpu.memory_space<hbm>>
      %dma_wait3A_82 = tpu.memref_squeeze %dma_wait3A_81 : memref<1x4096xi32, #tpu.memory_space<hbm>> -> memref<4096xi32, #tpu.memory_space<hbm>>
      tpu.wait_dma2 semaphore(%run_scoped3A : memref<!tpu.dma_semaphore, #tpu.memory_space<semaphore_mem>>) src(%dma_wait3A_82 : memref<4096xi32, #tpu.memory_space<hbm>>) dst(%arg6 : memref<4096xi32, #tpu.memory_space<vmem>>)
      tpu.yield
    }) : () -> ()
    %scan3A = arith.constant 0 : i32
    %scan3A_60 = arith.constant 13 : i32
    %scan3A_61 = arith.addi %scan3A, %scan3A_60 : i32
    %scan3A_62 = arith.constant 1 : i32
    %scan3A_63 = scf.for %scan3A_71 = %scan3A to %scan3A_61 step %scan3A_62 iter_args(%scan3A_72 = %select_n3A) -> (i32)  : i32 {
      %add3A_73 = arith.addi %mul3A_2, %scan3A_71 : i32
      %jit3A_74 = arith.constant 16 : i32
      %div3A_75 = arith.divsi %add3A_73, %jit3A_74 : i32
      %sign3A_76 = arith.constant 0 : i32
      %sign3A_77 = arith.cmpi sgt, %add3A_73, %sign3A_76 : i32
      %sign3A_78 = arith.extui %sign3A_77 : i1 to i32
      %sign3A_79 = arith.constant 0 : i32
      %sign3A_80 = arith.cmpi slt, %add3A_73, %sign3A_79 : i32
      %sign3A_81 = arith.extui %sign3A_80 : i1 to i32
      %sign3A_82 = arith.subi %sign3A_78, %sign3A_81 : i32
      %sign3A_83 = arith.constant 0 : i32
      %sign3A_84 = arith.cmpi sgt, %jit3A_74, %sign3A_83 : i32
      %sign3A_85 = arith.extui %sign3A_84 : i1 to i32
      %sign3A_86 = arith.constant 0 : i32
      %sign3A_87 = arith.cmpi slt, %jit3A_74, %sign3A_86 : i32
      %sign3A_88 = arith.extui %sign3A_87 : i1 to i32
      %sign3A_89 = arith.subi %sign3A_85, %sign3A_88 : i32
      %ne3A_90 = arith.cmpi ne, %sign3A_82, %sign3A_89 : i32
      %rem3A_91 = arith.remsi %add3A_73, %jit3A_74 : i32
      %ne3A_92 = arith.constant 0 : i32
      %ne3A_93 = arith.cmpi ne, %rem3A_91, %ne3A_92 : i32
      %and3A_94 = arith.andi %ne3A_90, %ne3A_93 : i1
      %sub3A_95 = arith.constant 1 : i32
      %sub3A_96 = arith.subi %div3A_75, %sub3A_95 : i32
      %select_n3A_97 = arith.select %and3A_94, %sub3A_96, %div3A_75 : i32
      %ne3A_98 = arith.cmpi ne, %select_n3A_97, %scan3A_72 : i32
      %convert_element_type3A_99 = arith.extui %ne3A_98 : i1 to i32
      %cond3A_100 = arith.constant 0 : i32
      %cond3A_101 = arith.cmpi ne, %convert_element_type3A_99, %cond3A_100 : i32
      scf.if %cond3A_101 {
        "tpu.region"() ({
          %run_scoped3A = tpu.sem_alloc : memref<!tpu.dma_semaphore, #tpu.memory_space<semaphore_mem>>
          %dma_start3A_141 = arith.constant 0 : i32
          %dma_start3A_142 = tpu.memref_slice %arg2[%select_n3A_97, %dma_start3A_141] : memref<30x4096xi32, #tpu.memory_space<hbm>> -> memref<1x4096xi32, #tpu.memory_space<hbm>>
          %dma_start3A_143 = tpu.memref_squeeze %dma_start3A_142 : memref<1x4096xi32, #tpu.memory_space<hbm>> -> memref<4096xi32, #tpu.memory_space<hbm>>
          %dma_start3A_144 = arith.constant 0 : i32
          %dma_start3A_145 = tpu.memref_slice %arg2[%select_n3A_97, %dma_start3A_144] : memref<30x4096xi32, #tpu.memory_space<hbm>> -> memref<1x4096xi32, #tpu.memory_space<hbm>>
          %dma_start3A_146 = tpu.memref_squeeze %dma_start3A_145 : memref<1x4096xi32, #tpu.memory_space<hbm>> -> memref<4096xi32, #tpu.memory_space<hbm>>
          tpu.enqueue_dma source(%dma_start3A_146 : memref<4096xi32, #tpu.memory_space<hbm>>) target(%arg6 : memref<4096xi32, #tpu.memory_space<vmem>>) target_semaphore(%run_scoped3A : memref<!tpu.dma_semaphore, #tpu.memory_space<semaphore_mem>>)
          %dma_wait3A_147 = arith.constant 0 : i32
          %dma_wait3A_148 = tpu.memref_slice %arg2[%select_n3A_97, %dma_wait3A_147] : memref<30x4096xi32, #tpu.memory_space<hbm>> -> memref<1x4096xi32, #tpu.memory_space<hbm>>
          %dma_wait3A_149 = tpu.memref_squeeze %dma_wait3A_148 : memref<1x4096xi32, #tpu.memory_space<hbm>> -> memref<4096xi32, #tpu.memory_space<hbm>>
          %dma_wait3A_150 = arith.constant 0 : i32
          %dma_wait3A_151 = tpu.memref_slice %arg2[%select_n3A_97, %dma_wait3A_150] : memref<30x4096xi32, #tpu.memory_space<hbm>> -> memref<1x4096xi32, #tpu.memory_space<hbm>>
          %dma_wait3A_152 = tpu.memref_squeeze %dma_wait3A_151 : memref<1x4096xi32, #tpu.memory_space<hbm>> -> memref<4096xi32, #tpu.memory_space<hbm>>
          tpu.wait_dma2 semaphore(%run_scoped3A : memref<!tpu.dma_semaphore, #tpu.memory_space<semaphore_mem>>) src(%dma_wait3A_152 : memref<4096xi32, #tpu.memory_space<hbm>>) dst(%arg6 : memref<4096xi32, #tpu.memory_space<vmem>>)
          tpu.yield
        }) : () -> ()
      } else {
      }
      %dma_wait3A_102 = arith.constant 0 : i32
      %dma_wait3A_103 = arith.constant 0 : i32
      %dma_wait3A_104 = arith.constant 0 : i32
      %dma_wait3A_105 = arith.constant 0 : i32
      %dma_wait3A_106 = tpu.memref_slice %arg3[%dma_wait3A_102, %dma_wait3A_104, %dma_wait3A_105] : memref<26x16x100000xf32, #tpu.memory_space<hbm>> -> memref<1x16x100000xf32, #tpu.memory_space<hbm>>
      %dma_wait3A_107 = tpu.memref_squeeze %dma_wait3A_106 : memref<1x16x100000xf32, #tpu.memory_space<hbm>> -> memref<16x100000xf32, #tpu.memory_space<hbm>>
      %dma_wait3A_108 = arith.constant 0 : i32
      %dma_wait3A_109 = tpu.memref_slice %dma_wait3A_107[%dma_wait3A_103, %dma_wait3A_108] : memref<16x100000xf32, #tpu.memory_space<hbm>> -> memref<1x100000xf32, #tpu.memory_space<hbm>>
      %dma_wait3A_110 = tpu.memref_squeeze %dma_wait3A_109 : memref<1x100000xf32, #tpu.memory_space<hbm>> -> memref<100000xf32, #tpu.memory_space<hbm>>
      %dma_wait3A_111 = arith.constant 0 : i32
      %dma_wait3A_112 = arith.constant 0 : i32
      %dma_wait3A_113 = tpu.memref_slice %arg3[%dma_wait3A_102, %dma_wait3A_111, %dma_wait3A_112] : memref<26x16x100000xf32, #tpu.memory_space<hbm>> -> memref<1x16x100000xf32, #tpu.memory_space<hbm>>
      %dma_wait3A_114 = tpu.memref_squeeze %dma_wait3A_113 : memref<1x16x100000xf32, #tpu.memory_space<hbm>> -> memref<16x100000xf32, #tpu.memory_space<hbm>>
      %dma_wait3A_115 = arith.constant 0 : i32
      %dma_wait3A_116 = tpu.memref_slice %dma_wait3A_114[%dma_wait3A_103, %dma_wait3A_115] : memref<16x100000xf32, #tpu.memory_space<hbm>> -> memref<1x100000xf32, #tpu.memory_space<hbm>>
      %dma_wait3A_117 = tpu.memref_squeeze %dma_wait3A_116 : memref<1x100000xf32, #tpu.memory_space<hbm>> -> memref<100000xf32, #tpu.memory_space<hbm>>
      tpu.wait_dma2 semaphore(%arg8 : memref<!tpu.dma_semaphore, #tpu.memory_space<semaphore_mem>>) src(%dma_wait3A_117 : memref<100000xf32, #tpu.memory_space<hbm>>) dst(%arg5 : memref<100000xf32, #tpu.memory_space<vmem>>)
      %gt3A = arith.constant 0 : i32
      %gt3A_118 = arith.cmpi sgt, %scan3A_71, %gt3A : i32
      %convert_element_type3A_119 = arith.extui %gt3A_118 : i1 to i32
      %cond3A_120 = arith.constant 0 : i32
      %cond3A_121 = arith.cmpi ne, %convert_element_type3A_119, %cond3A_120 : i32
      scf.if %cond3A_121 {
        %dma_wait3A_141 = arith.constant 0 : i32
        %dma_wait3A_142 = arith.constant 0 : i32
        %dma_wait3A_143 = tpu.memref_slice %arg4[%dma_wait3A_141, %dma_wait3A_142] : memref<420x4096xf32, #tpu.memory_space<hbm>> -> memref<1x4096xf32, #tpu.memory_space<hbm>>
        %dma_wait3A_144 = tpu.memref_squeeze %dma_wait3A_143 : memref<1x4096xf32, #tpu.memory_space<hbm>> -> memref<4096xf32, #tpu.memory_space<hbm>>
        %dma_wait3A_145 = arith.constant 0 : i32
        %dma_wait3A_146 = tpu.memref_slice %arg4[%dma_wait3A_141, %dma_wait3A_145] : memref<420x4096xf32, #tpu.memory_space<hbm>> -> memref<1x4096xf32, #tpu.memory_space<hbm>>
        %dma_wait3A_147 = tpu.memref_squeeze %dma_wait3A_146 : memref<1x4096xf32, #tpu.memory_space<hbm>> -> memref<4096xf32, #tpu.memory_space<hbm>>
        tpu.wait_dma2 semaphore(%arg9 : memref<!tpu.dma_semaphore, #tpu.memory_space<semaphore_mem>>) src(%arg7 : memref<4096xf32, #tpu.memory_space<vmem>>) dst(%dma_wait3A_147 : memref<4096xf32, #tpu.memory_space<hbm>>)
      } else {
      }
      %scan3A_122 = arith.constant 0 : i32
      %scan3A_123 = arith.constant 0 : i32
      %scan3A_124 = arith.constant 256 : i32
      %scan3A_125 = arith.addi %scan3A_123, %scan3A_124 : i32
      %scan3A_126 = arith.constant 16 : i32
      scf.for %scan3A_141 = %scan3A_123 to %scan3A_125 step %scan3A_126  : i32 {
        %mul3A_142 = arith.constant 16 : i32
        %mul3A_143 = arith.muli %scan3A_141, %mul3A_142 : i32
        %get3A = arith.index_cast %mul3A_143 : i32 to index
        %get3A_144 = tpu.vector_load %arg6[%get3A] {strides = array<i32>} : memref<4096xi32, #tpu.memory_space<vmem>>, vector<16xi32>,
        %gather3A = tpu.vector_load_idx %arg5[%get3A_144] : memref<100000xf32, #tpu.memory_space<vmem>>[vector<16xi32>], vector<16xf32>,
        %mul3A_145 = arith.constant 16 : i32
        %mul3A_146 = arith.muli %scan3A_141, %mul3A_145 : i32
        %swap3A = arith.index_cast %mul3A_146 : i32 to index
        %swap3A_147 = tpu.vector_load %arg7[%swap3A] {strides = array<i32>} : memref<4096xf32, #tpu.memory_space<vmem>>, vector<16xf32>,
        tpu.vector_store %arg7[%swap3A], %gather3A {strides = array<i32>} : memref<4096xf32, #tpu.memory_space<vmem>>, vector<16xf32>,
        %scan3A_148 = arith.constant 1 : i32
        %scan3A_149 = arith.addi %scan3A_141, %scan3A_148 : i32
        %mul3A_150 = arith.constant 16 : i32
        %mul3A_151 = arith.muli %scan3A_149, %mul3A_150 : i32
        %get3A_152 = arith.index_cast %mul3A_151 : i32 to index
        %get3A_153 = tpu.vector_load %arg6[%get3A_152] {strides = array<i32>} : memref<4096xi32, #tpu.memory_space<vmem>>, vector<16xi32>,
        %gather3A_154 = tpu.vector_load_idx %arg5[%get3A_153] : memref<100000xf32, #tpu.memory_space<vmem>>[vector<16xi32>], vector<16xf32>,
        %mul3A_155 = arith.constant 16 : i32
        %mul3A_156 = arith.muli %scan3A_149, %mul3A_155 : i32
        %swap3A_157 = arith.index_cast %mul3A_156 : i32 to index
        %swap3A_158 = tpu.vector_load %arg7[%swap3A_157] {strides = array<i32>} : memref<4096xf32, #tpu.memory_space<vmem>>, vector<16xf32>,
        tpu.vector_store %arg7[%swap3A_157], %gather3A_154 {strides = array<i32>} : memref<4096xf32, #tpu.memory_space<vmem>>, vector<16xf32>,
        %scan3A_159 = arith.constant 2 : i32
        %scan3A_160 = arith.addi %scan3A_141, %scan3A_159 : i32
        %mul3A_161 = arith.constant 16 : i32
        %mul3A_162 = arith.muli %scan3A_160, %mul3A_161 : i32
        %get3A_163 = arith.index_cast %mul3A_162 : i32 to index
        %get3A_164 = tpu.vector_load %arg6[%get3A_163] {strides = array<i32>} : memref<4096xi32, #tpu.memory_space<vmem>>, vector<16xi32>,
        %gather3A_165 = tpu.vector_load_idx %arg5[%get3A_164] : memref<100000xf32, #tpu.memory_space<vmem>>[vector<16xi32>], vector<16xf32>,
        %mul3A_166 = arith.constant 16 : i32
        %mul3A_167 = arith.muli %scan3A_160, %mul3A_166 : i32
        %swap3A_168 = arith.index_cast %mul3A_167 : i32 to index
        %swap3A_169 = tpu.vector_load %arg7[%swap3A_168] {strides = array<i32>} : memref<4096xf32, #tpu.memory_space<vmem>>, vector<16xf32>,
        tpu.vector_store %arg7[%swap3A_168], %gather3A_165 {strides = array<i32>} : memref<4096xf32, #tpu.memory_space<vmem>>, vector<16xf32>,
        %scan3A_170 = arith.constant 3 : i32
        %scan3A_171 = arith.addi %scan3A_141, %scan3A_170 : i32
        %mul3A_172 = arith.constant 16 : i32
        %mul3A_173 = arith.muli %scan3A_171, %mul3A_172 : i32
        %get3A_174 = arith.index_cast %mul3A_173 : i32 to index
        %get3A_175 = tpu.vector_load %arg6[%get3A_174] {strides = array<i32>} : memref<4096xi32, #tpu.memory_space<vmem>>, vector<16xi32>,
        %gather3A_176 = tpu.vector_load_idx %arg5[%get3A_175] : memref<100000xf32, #tpu.memory_space<vmem>>[vector<16xi32>], vector<16xf32>,
        %mul3A_177 = arith.constant 16 : i32
        %mul3A_178 = arith.muli %scan3A_171, %mul3A_177 : i32
        %swap3A_179 = arith.index_cast %mul3A_178 : i32 to index
        %swap3A_180 = tpu.vector_load %arg7[%swap3A_179] {strides = array<i32>} : memref<4096xf32, #tpu.memory_space<vmem>>, vector<16xf32>,
        tpu.vector_store %arg7[%swap3A_179], %gather3A_176 {strides = array<i32>} : memref<4096xf32, #tpu.memory_space<vmem>>, vector<16xf32>,
        %scan3A_181 = arith.constant 4 : i32
        %scan3A_182 = arith.addi %scan3A_141, %scan3A_181 : i32
        %mul3A_183 = arith.constant 16 : i32
        %mul3A_184 = arith.muli %scan3A_182, %mul3A_183 : i32
        %get3A_185 = arith.index_cast %mul3A_184 : i32 to index
        %get3A_186 = tpu.vector_load %arg6[%get3A_185] {strides = array<i32>} : memref<4096xi32, #tpu.memory_space<vmem>>, vector<16xi32>,
        %gather3A_187 = tpu.vector_load_idx %arg5[%get3A_186] : memref<100000xf32, #tpu.memory_space<vmem>>[vector<16xi32>], vector<16xf32>,
        %mul3A_188 = arith.constant 16 : i32
        %mul3A_189 = arith.muli %scan3A_182, %mul3A_188 : i32
        %swap3A_190 = arith.index_cast %mul3A_189 : i32 to index
        %swap3A_191 = tpu.vector_load %arg7[%swap3A_190] {strides = array<i32>} : memref<4096xf32, #tpu.memory_space<vmem>>, vector<16xf32>,
        tpu.vector_store %arg7[%swap3A_190], %gather3A_187 {strides = array<i32>} : memref<4096xf32, #tpu.memory_space<vmem>>, vector<16xf32>,
        %scan3A_192 = arith.constant 5 : i32
        %scan3A_193 = arith.addi %scan3A_141, %scan3A_192 : i32
        %mul3A_194 = arith.constant 16 : i32
        %mul3A_195 = arith.muli %scan3A_193, %mul3A_194 : i32
        %get3A_196 = arith.index_cast %mul3A_195 : i32 to index
        %get3A_197 = tpu.vector_load %arg6[%get3A_196] {strides = array<i32>} : memref<4096xi32, #tpu.memory_space<vmem>>, vector<16xi32>,
        %gather3A_198 = tpu.vector_load_idx %arg5[%get3A_197] : memref<100000xf32, #tpu.memory_space<vmem>>[vector<16xi32>], vector<16xf32>,
        %mul3A_199 = arith.constant 16 : i32
        %mul3A_200 = arith.muli %scan3A_193, %mul3A_199 : i32
        %swap3A_201 = arith.index_cast %mul3A_200 : i32 to index
        %swap3A_202 = tpu.vector_load %arg7[%swap3A_201] {strides = array<i32>} : memref<4096xf32, #tpu.memory_space<vmem>>, vector<16xf32>,
        tpu.vector_store %arg7[%swap3A_201], %gather3A_198 {strides = array<i32>} : memref<4096xf32, #tpu.memory_space<vmem>>, vector<16xf32>,
        %scan3A_203 = arith.constant 6 : i32
        %scan3A_204 = arith.addi %scan3A_141, %scan3A_203 : i32
        %mul3A_205 = arith.constant 16 : i32
        %mul3A_206 = arith.muli %scan3A_204, %mul3A_205 : i32
        %get3A_207 = arith.index_cast %mul3A_206 : i32 to index
        %get3A_208 = tpu.vector_load %arg6[%get3A_207] {strides = array<i32>} : memref<4096xi32, #tpu.memory_space<vmem>>, vector<16xi32>,
        %gather3A_209 = tpu.vector_load_idx %arg5[%get3A_208] : memref<100000xf32, #tpu.memory_space<vmem>>[vector<16xi32>], vector<16xf32>,
        %mul3A_210 = arith.constant 16 : i32
        %mul3A_211 = arith.muli %scan3A_204, %mul3A_210 : i32
        %swap3A_212 = arith.index_cast %mul3A_211 : i32 to index
        %swap3A_213 = tpu.vector_load %arg7[%swap3A_212] {strides = array<i32>} : memref<4096xf32, #tpu.memory_space<vmem>>, vector<16xf32>,
        tpu.vector_store %arg7[%swap3A_212], %gather3A_209 {strides = array<i32>} : memref<4096xf32, #tpu.memory_space<vmem>>, vector<16xf32>,
        %scan3A_214 = arith.constant 7 : i32
        %scan3A_215 = arith.addi %scan3A_141, %scan3A_214 : i32
        %mul3A_216 = arith.constant 16 : i32
        %mul3A_217 = arith.muli %scan3A_215, %mul3A_216 : i32
        %get3A_218 = arith.index_cast %mul3A_217 : i32 to index
        %get3A_219 = tpu.vector_load %arg6[%get3A_218] {strides = array<i32>} : memref<4096xi32, #tpu.memory_space<vmem>>, vector<16xi32>,
        %gather3A_220 = tpu.vector_load_idx %arg5[%get3A_219] : memref<100000xf32, #tpu.memory_space<vmem>>[vector<16xi32>], vector<16xf32>,
        %mul3A_221 = arith.constant 16 : i32
        %mul3A_222 = arith.muli %scan3A_215, %mul3A_221 : i32
        %swap3A_223 = arith.index_cast %mul3A_222 : i32 to index
        %swap3A_224 = tpu.vector_load %arg7[%swap3A_223] {strides = array<i32>} : memref<4096xf32, #tpu.memory_space<vmem>>, vector<16xf32>,
        tpu.vector_store %arg7[%swap3A_223], %gather3A_220 {strides = array<i32>} : memref<4096xf32, #tpu.memory_space<vmem>>, vector<16xf32>,
        %scan3A_225 = arith.constant 8 : i32
        %scan3A_226 = arith.addi %scan3A_141, %scan3A_225 : i32
        %mul3A_227 = arith.constant 16 : i32
        %mul3A_228 = arith.muli %scan3A_226, %mul3A_227 : i32
        %get3A_229 = arith.index_cast %mul3A_228 : i32 to index
        %get3A_230 = tpu.vector_load %arg6[%get3A_229] {strides = array<i32>} : memref<4096xi32, #tpu.memory_space<vmem>>, vector<16xi32>,
        %gather3A_231 = tpu.vector_load_idx %arg5[%get3A_230] : memref<100000xf32, #tpu.memory_space<vmem>>[vector<16xi32>], vector<16xf32>,
        %mul3A_232 = arith.constant 16 : i32
        %mul3A_233 = arith.muli %scan3A_226, %mul3A_232 : i32
        %swap3A_234 = arith.index_cast %mul3A_233 : i32 to index
        %swap3A_235 = tpu.vector_load %arg7[%swap3A_234] {strides = array<i32>} : memref<4096xf32, #tpu.memory_space<vmem>>, vector<16xf32>,
        tpu.vector_store %arg7[%swap3A_234], %gather3A_231 {strides = array<i32>} : memref<4096xf32, #tpu.memory_space<vmem>>, vector<16xf32>,
        %scan3A_236 = arith.constant 9 : i32
        %scan3A_237 = arith.addi %scan3A_141, %scan3A_236 : i32
        %mul3A_238 = arith.constant 16 : i32
        %mul3A_239 = arith.muli %scan3A_237, %mul3A_238 : i32
        %get3A_240 = arith.index_cast %mul3A_239 : i32 to index
        %get3A_241 = tpu.vector_load %arg6[%get3A_240] {strides = array<i32>} : memref<4096xi32, #tpu.memory_space<vmem>>, vector<16xi32>,
        %gather3A_242 = tpu.vector_load_idx %arg5[%get3A_241] : memref<100000xf32, #tpu.memory_space<vmem>>[vector<16xi32>], vector<16xf32>,
        %mul3A_243 = arith.constant 16 : i32
        %mul3A_244 = arith.muli %scan3A_237, %mul3A_243 : i32
        %swap3A_245 = arith.index_cast %mul3A_244 : i32 to index
        %swap3A_246 = tpu.vector_load %arg7[%swap3A_245] {strides = array<i32>} : memref<4096xf32, #tpu.memory_space<vmem>>, vector<16xf32>,
        tpu.vector_store %arg7[%swap3A_245], %gather3A_242 {strides = array<i32>} : memref<4096xf32, #tpu.memory_space<vmem>>, vector<16xf32>,
        %scan3A_247 = arith.constant 10 : i32
        %scan3A_248 = arith.addi %scan3A_141, %scan3A_247 : i32
        %mul3A_249 = arith.constant 16 : i32
        %mul3A_250 = arith.muli %scan3A_248, %mul3A_249 : i32
        %get3A_251 = arith.index_cast %mul3A_250 : i32 to index
        %get3A_252 = tpu.vector_load %arg6[%get3A_251] {strides = array<i32>} : memref<4096xi32, #tpu.memory_space<vmem>>, vector<16xi32>,
        %gather3A_253 = tpu.vector_load_idx %arg5[%get3A_252] : memref<100000xf32, #tpu.memory_space<vmem>>[vector<16xi32>], vector<16xf32>,
        %mul3A_254 = arith.constant 16 : i32
        %mul3A_255 = arith.muli %scan3A_248, %mul3A_254 : i32
        %swap3A_256 = arith.index_cast %mul3A_255 : i32 to index
        %swap3A_257 = tpu.vector_load %arg7[%swap3A_256] {strides = array<i32>} : memref<4096xf32, #tpu.memory_space<vmem>>, vector<16xf32>,
        tpu.vector_store %arg7[%swap3A_256], %gather3A_253 {strides = array<i32>} : memref<4096xf32, #tpu.memory_space<vmem>>, vector<16xf32>,
        %scan3A_258 = arith.constant 11 : i32
        %scan3A_259 = arith.addi %scan3A_141, %scan3A_258 : i32
        %mul3A_260 = arith.constant 16 : i32
        %mul3A_261 = arith.muli %scan3A_259, %mul3A_260 : i32
        %get3A_262 = arith.index_cast %mul3A_261 : i32 to index
        %get3A_263 = tpu.vector_load %arg6[%get3A_262] {strides = array<i32>} : memref<4096xi32, #tpu.memory_space<vmem>>, vector<16xi32>,
        %gather3A_264 = tpu.vector_load_idx %arg5[%get3A_263] : memref<100000xf32, #tpu.memory_space<vmem>>[vector<16xi32>], vector<16xf32>,
        %mul3A_265 = arith.constant 16 : i32
        %mul3A_266 = arith.muli %scan3A_259, %mul3A_265 : i32
        %swap3A_267 = arith.index_cast %mul3A_266 : i32 to index
        %swap3A_268 = tpu.vector_load %arg7[%swap3A_267] {strides = array<i32>} : memref<4096xf32, #tpu.memory_space<vmem>>, vector<16xf32>,
        tpu.vector_store %arg7[%swap3A_267], %gather3A_264 {strides = array<i32>} : memref<4096xf32, #tpu.memory_space<vmem>>, vector<16xf32>,
        %scan3A_269 = arith.constant 12 : i32
        %scan3A_270 = arith.addi %scan3A_141, %scan3A_269 : i32
        %mul3A_271 = arith.constant 16 : i32
        %mul3A_272 = arith.muli %scan3A_270, %mul3A_271 : i32
        %get3A_273 = arith.index_cast %mul3A_272 : i32 to index
        %get3A_274 = tpu.vector_load %arg6[%get3A_273] {strides = array<i32>} : memref<4096xi32, #tpu.memory_space<vmem>>, vector<16xi32>,
        %gather3A_275 = tpu.vector_load_idx %arg5[%get3A_274] : memref<100000xf32, #tpu.memory_space<vmem>>[vector<16xi32>], vector<16xf32>,
        %mul3A_276 = arith.constant 16 : i32
        %mul3A_277 = arith.muli %scan3A_270, %mul3A_276 : i32
        %swap3A_278 = arith.index_cast %mul3A_277 : i32 to index
        %swap3A_279 = tpu.vector_load %arg7[%swap3A_278] {strides = array<i32>} : memref<4096xf32, #tpu.memory_space<vmem>>, vector<16xf32>,
        tpu.vector_store %arg7[%swap3A_278], %gather3A_275 {strides = array<i32>} : memref<4096xf32, #tpu.memory_space<vmem>>, vector<16xf32>,
        %scan3A_280 = arith.constant 13 : i32
        %scan3A_281 = arith.addi %scan3A_141, %scan3A_280 : i32
        %mul3A_282 = arith.constant 16 : i32
        %mul3A_283 = arith.muli %scan3A_281, %mul3A_282 : i32
        %get3A_284 = arith.index_cast %mul3A_283 : i32 to index
        %get3A_285 = tpu.vector_load %arg6[%get3A_284] {strides = array<i32>} : memref<4096xi32, #tpu.memory_space<vmem>>, vector<16xi32>,
        %gather3A_286 = tpu.vector_load_idx %arg5[%get3A_285] : memref<100000xf32, #tpu.memory_space<vmem>>[vector<16xi32>], vector<16xf32>,
        %mul3A_287 = arith.constant 16 : i32
        %mul3A_288 = arith.muli %scan3A_281, %mul3A_287 : i32
        %swap3A_289 = arith.index_cast %mul3A_288 : i32 to index
        %swap3A_290 = tpu.vector_load %arg7[%swap3A_289] {strides = array<i32>} : memref<4096xf32, #tpu.memory_space<vmem>>, vector<16xf32>,
        tpu.vector_store %arg7[%swap3A_289], %gather3A_286 {strides = array<i32>} : memref<4096xf32, #tpu.memory_space<vmem>>, vector<16xf32>,
        %scan3A_291 = arith.constant 14 : i32
        %scan3A_292 = arith.addi %scan3A_141, %scan3A_291 : i32
        %mul3A_293 = arith.constant 16 : i32
        %mul3A_294 = arith.muli %scan3A_292, %mul3A_293 : i32
        %get3A_295 = arith.index_cast %mul3A_294 : i32 to index
        %get3A_296 = tpu.vector_load %arg6[%get3A_295] {strides = array<i32>} : memref<4096xi32, #tpu.memory_space<vmem>>, vector<16xi32>,
        %gather3A_297 = tpu.vector_load_idx %arg5[%get3A_296] : memref<100000xf32, #tpu.memory_space<vmem>>[vector<16xi32>], vector<16xf32>,
        %mul3A_298 = arith.constant 16 : i32
        %mul3A_299 = arith.muli %scan3A_292, %mul3A_298 : i32
        %swap3A_300 = arith.index_cast %mul3A_299 : i32 to index
        %swap3A_301 = tpu.vector_load %arg7[%swap3A_300] {strides = array<i32>} : memref<4096xf32, #tpu.memory_space<vmem>>, vector<16xf32>,
        tpu.vector_store %arg7[%swap3A_300], %gather3A_297 {strides = array<i32>} : memref<4096xf32, #tpu.memory_space<vmem>>, vector<16xf32>,
        %scan3A_302 = arith.constant 15 : i32
        %scan3A_303 = arith.addi %scan3A_141, %scan3A_302 : i32
        %mul3A_304 = arith.constant 16 : i32
        %mul3A_305 = arith.muli %scan3A_303, %mul3A_304 : i32
        %get3A_306 = arith.index_cast %mul3A_305 : i32 to index
        %get3A_307 = tpu.vector_load %arg6[%get3A_306] {strides = array<i32>} : memref<4096xi32, #tpu.memory_space<vmem>>, vector<16xi32>,
        %gather3A_308 = tpu.vector_load_idx %arg5[%get3A_307] : memref<100000xf32, #tpu.memory_space<vmem>>[vector<16xi32>], vector<16xf32>,
        %mul3A_309 = arith.constant 16 : i32
        %mul3A_310 = arith.muli %scan3A_303, %mul3A_309 : i32
        %swap3A_311 = arith.index_cast %mul3A_310 : i32 to index
        %swap3A_312 = tpu.vector_load %arg7[%swap3A_311] {strides = array<i32>} : memref<4096xf32, #tpu.memory_space<vmem>>, vector<16xf32>,
        tpu.vector_store %arg7[%swap3A_311], %gather3A_308 {strides = array<i32>} : memref<4096xf32, #tpu.memory_space<vmem>>, vector<16xf32>,
      }
      %scan3A_127 = arith.constant 256 : i32
      %add3A_128 = arith.constant 1 : i32
      %add3A_129 = arith.addi %scan3A_71, %add3A_128 : i32
      %lt3A_130 = arith.constant 13 : i32
      %lt3A_131 = arith.cmpi slt, %add3A_129, %lt3A_130 : i32
      %convert_element_type3A_132 = arith.extui %lt3A_131 : i1 to i32
      %cond3A_133 = arith.constant 0 : i32
      %cond3A_134 = arith.cmpi ne, %convert_element_type3A_132, %cond3A_133 : i32
      scf.if %cond3A_134 {
        %add3A_141 = arith.constant 1 : i32
        %add3A_142 = arith.addi %add3A_73, %add3A_141 : i32
        %jit3A_143 = arith.constant 16 : i32
        %div3A_144 = arith.divsi %add3A_142, %jit3A_143 : i32
        %sign3A_145 = arith.constant 0 : i32
        %sign3A_146 = arith.cmpi sgt, %add3A_142, %sign3A_145 : i32
        %sign3A_147 = arith.extui %sign3A_146 : i1 to i32
        %sign3A_148 = arith.constant 0 : i32
        %sign3A_149 = arith.cmpi slt, %add3A_142, %sign3A_148 : i32
        %sign3A_150 = arith.extui %sign3A_149 : i1 to i32
        %sign3A_151 = arith.subi %sign3A_147, %sign3A_150 : i32
        %sign3A_152 = arith.constant 0 : i32
        %sign3A_153 = arith.cmpi sgt, %jit3A_143, %sign3A_152 : i32
        %sign3A_154 = arith.extui %sign3A_153 : i1 to i32
        %sign3A_155 = arith.constant 0 : i32
        %sign3A_156 = arith.cmpi slt, %jit3A_143, %sign3A_155 : i32
        %sign3A_157 = arith.extui %sign3A_156 : i1 to i32
        %sign3A_158 = arith.subi %sign3A_154, %sign3A_157 : i32
        %ne3A_159 = arith.cmpi ne, %sign3A_151, %sign3A_158 : i32
        %rem3A_160 = arith.remsi %add3A_142, %jit3A_143 : i32
        %ne3A_161 = arith.constant 0 : i32
        %ne3A_162 = arith.cmpi ne, %rem3A_160, %ne3A_161 : i32
        %and3A_163 = arith.andi %ne3A_159, %ne3A_162 : i1
        %sub3A_164 = arith.constant 1 : i32
        %sub3A_165 = arith.subi %div3A_144, %sub3A_164 : i32
        %select_n3A_166 = arith.select %and3A_163, %sub3A_165, %div3A_144 : i32
        %rem3A_167 = arith.constant 16 : i32
        %rem3A_168 = arith.remsi %add3A_142, %rem3A_167 : i32
        %dma_start3A_169 = arith.constant 0 : i32
        %dma_start3A_170 = arith.constant 0 : i32
        %dma_start3A_171 = tpu.memref_slice %arg3[%select_n3A_166, %dma_start3A_169, %dma_start3A_170] : memref<26x16x100000xf32, #tpu.memory_space<hbm>> -> memref<1x16x100000xf32, #tpu.memory_space<hbm>>
        %dma_start3A_172 = tpu.memref_squeeze %dma_start3A_171 : memref<1x16x100000xf32, #tpu.memory_space<hbm>> -> memref<16x100000xf32, #tpu.memory_space<hbm>>
        %dma_start3A_173 = arith.constant 0 : i32
        %dma_start3A_174 = tpu.memref_slice %dma_start3A_172[%rem3A_168, %dma_start3A_173] : memref<16x100000xf32, #tpu.memory_space<hbm>> -> memref<1x100000xf32, #tpu.memory_space<hbm>>
        %dma_start3A_175 = tpu.memref_squeeze %dma_start3A_174 : memref<1x100000xf32, #tpu.memory_space<hbm>> -> memref<100000xf32, #tpu.memory_space<hbm>>
        %dma_start3A_176 = arith.constant 0 : i32
        %dma_start3A_177 = arith.constant 0 : i32
        %dma_start3A_178 = tpu.memref_slice %arg3[%select_n3A_166, %dma_start3A_176, %dma_start3A_177] : memref<26x16x100000xf32, #tpu.memory_space<hbm>> -> memref<1x16x100000xf32, #tpu.memory_space<hbm>>
        %dma_start3A_179 = tpu.memref_squeeze %dma_start3A_178 : memref<1x16x100000xf32, #tpu.memory_space<hbm>> -> memref<16x100000xf32, #tpu.memory_space<hbm>>
        %dma_start3A_180 = arith.constant 0 : i32
        %dma_start3A_181 = tpu.memref_slice %dma_start3A_179[%rem3A_168, %dma_start3A_180] : memref<16x100000xf32, #tpu.memory_space<hbm>> -> memref<1x100000xf32, #tpu.memory_space<hbm>>
        %dma_start3A_182 = tpu.memref_squeeze %dma_start3A_181 : memref<1x100000xf32, #tpu.memory_space<hbm>> -> memref<100000xf32, #tpu.memory_space<hbm>>
        tpu.enqueue_dma source(%dma_start3A_182 : memref<100000xf32, #tpu.memory_space<hbm>>) target(%arg5 : memref<100000xf32, #tpu.memory_space<vmem>>) target_semaphore(%arg8 : memref<!tpu.dma_semaphore, #tpu.memory_space<semaphore_mem>>)
      } else {
      }
      %dma_start3A_135 = arith.constant 0 : i32
      %dma_start3A_136 = tpu.memref_slice %arg4[%add3A_73, %dma_start3A_135] : memref<420x4096xf32, #tpu.memory_space<hbm>> -> memref<1x4096xf32, #tpu.memory_space<hbm>>
      %dma_start3A_137 = tpu.memref_squeeze %dma_start3A_136 : memref<1x4096xf32, #tpu.memory_space<hbm>> -> memref<4096xf32, #tpu.memory_space<hbm>>
      %dma_start3A_138 = arith.constant 0 : i32
      %dma_start3A_139 = tpu.memref_slice %arg4[%add3A_73, %dma_start3A_138] : memref<420x4096xf32, #tpu.memory_space<hbm>> -> memref<1x4096xf32, #tpu.memory_space<hbm>>
      %dma_start3A_140 = tpu.memref_squeeze %dma_start3A_139 : memref<1x4096xf32, #tpu.memory_space<hbm>> -> memref<4096xf32, #tpu.memory_space<hbm>>
      tpu.enqueue_dma source(%arg7 : memref<4096xf32, #tpu.memory_space<vmem>>) target(%dma_start3A_140 : memref<4096xf32, #tpu.memory_space<hbm>>) target_semaphore(%arg9 : memref<!tpu.dma_semaphore, #tpu.memory_space<semaphore_mem>>)
      scf.yield %select_n3A_97 : i32
    }
    %scan3A_64 = arith.constant 13 : i32
    %dma_wait3A = arith.constant 0 : i32
    %dma_wait3A_65 = arith.constant 0 : i32
    %dma_wait3A_66 = tpu.memref_slice %arg4[%dma_wait3A, %dma_wait3A_65] : memref<420x4096xf32, #tpu.memory_space<hbm>> -> memref<1x4096xf32, #tpu.memory_space<hbm>>
    %dma_wait3A_67 = tpu.memref_squeeze %dma_wait3A_66 : memref<1x4096xf32, #tpu.memory_space<hbm>> -> memref<4096xf32, #tpu.memory_space<hbm>>
    %dma_wait3A_68 = arith.constant 0 : i32
    %dma_wait3A_69 = tpu.memref_slice %arg4[%dma_wait3A, %dma_wait3A_68] : memref<420x4096xf32, #tpu.memory_space<hbm>> -> memref<1x4096xf32, #tpu.memory_space<hbm>>
    %dma_wait3A_70 = tpu.memref_squeeze %dma_wait3A_69 : memref<1x4096xf32, #tpu.memory_space<hbm>> -> memref<4096xf32, #tpu.memory_space<hbm>>
    tpu.wait_dma2 semaphore(%arg9 : memref<!tpu.dma_semaphore, #tpu.memory_space<semaphore_mem>>) src(%arg7 : memref<4096xf32, #tpu.memory_space<vmem>>) dst(%dma_wait3A_70 : memref<4096xf32, #tpu.memory_space<hbm>>)
    return
  }
}

</mosaic_0001>

<sc_bundles>
// kernel: kernel.3.cloned.1.call-start
scs
__scs_entry_jumppad:
0x0: {  	(pc) =	sbr.rel $0x88, $3  }
0x1: {  	(tag) =	ssettag $0x0;
	lr =	simm.s32 $0x1  }
0x2: {  	[smem:$0x3F9F] =	sst lr;
	_ =	strace $0xD0000000  }
0x3: {  	_ = 	snop  }
0x4: {  	_ = 	snop  }
0x5: {  	_ = 	snop  }
0x6: {  	_ = 	snop  }
0x7: {  	_ = 	snop  }
__scs_overlays_trampoline_lowered:
0x8: {  	[smem:$0x3FAE] =	sst s0  }
0x9: {  	[smem:$0x3FAF] =	sst s1  }
0xa: {  	[smem:$0x3FB0] =	sst s2  }
0xb: {  	[smem:$0x3FB1] =	sst s3  }
0xc: {  	[smem:$0x3FB2] =	sst s4  }
0xd: {  	[smem:$0x3FB3] =	sst s5  }
0xe: {  	[smem:$0x3FB4] =	sst s6  }
0xf: {  	[smem:$0x3FB5] =	sst s7  }
0x10: {  	[smem:$0x3FB6] =	sst s8  }
0x11: {  	[smem:$0x3FB7] =	sst s9;
	s0 =	simm.s32 @!p0 $0x0  }
0x12: {  	s1 =	sld [smem:$0x3F9D];
	s0 =	simm.s32 @p0 $0x1  }
0x13: {  	[smem:$0x3FB8] =	sst s0;
	s0 =	simm.s32 @!p1 $0x0  }
0x14: {  	s2 =	sld [smem:$0x3F9C];
	s0 =	simm.s32 @p1 $0x1  }
0x15: {  	[smem:$0x3FB9] =	sst s0;
	s0 =	simm.s32 @!p2 $0x0  }
0x16: {  	s3 =	sld [smem:$0x3FDB];
	s0 =	simm.s32 @p2 $0x1  }
0x17: {  	s4 =	simm.s32 $0x1BF5;
	[smem:$0x3FBB] =	sst s0  }
0x18: {  	s0 =	sld [smem:$0x3F9E];
	_ =	swait.ge [sflag:s4], $0x0  }
0x19: {  	s7 =	sld [smem:$0x3F9F]  }
0x1a: {  	s8 =	sadd.s32 $0xFFFFE003, lr  }
0x1b: {  	s9 =	sadd.s32 $0xFFFFFEF7, lr;
	s5 =	simm.s32 $0xFFFFFFFF;
	p2 =	slt.u32 s8, $0xFFFFF086  }
0x1c: {  	p1 =	slt.u32 s9, $0xF7A;
	s5 =	simm.s32 @!p2 $0x0  }
0x1d: {  	s5 =	simm.s32 @p1 $0x1;
	p0 =	seq.s32 s7, s2  }
0x1e: {  	s7 =	smul.u32 @!p0 $0xF7A, s2;
	p2 =	seq.s32 @!p0 s5, $0x0  }
0x1f: {  	s9 =	smul.u32 $0xF7A, s1;
	s8 =	simm.s32 @!p0 $0x1BF5;
	p2 =	por !p2, p0  }
0x20: {  	[sflag:s8] =	ssyncset.s32 @!p0 $0xFFFFF086;
	s6 =	sadd.s32 @!p0 s3, s7;
	s7 =	simm.s32 @!p0 $0x108  }
0x21: {  	s3 =	sadd.s32 s3, s9;
	s6 =	sadd.s32 @!p0 $0x88, s6;
	s7 =	simm.s32 @p2 $0x1082  }
0x22: {  	[simem:s7], [sflag:s8] =	dma.local @!p0 [hbm:s6], $0xF7A  }
0x23: {  	s9 =	sor.u32 $0xD0000000, s2;
	s6 =	simm.s32 $0x108;
	_ =	swait.ge @!p0 [sflag:s8], $0x0  }
0x24: {  	s3 =	sadd.s32 $0x88, s3;
	s6 =	simm.s32 @!p1 $0x1082;
	[sflag:s4] =	ssyncset.s32 $0xFFFFF086  }
0x25: {  	[simem:s6], [sflag:s4] =	dma.local [hbm:s3], $0xF7A  }
0x26: {  	[smem:$0x3F9F] =	sst s1;
	(tag) =	ssettag s2;
	_ =	strace s9  }
0x27: {  	s1 =	sld [smem:$0x3FAF]  }
0x28: {  	s2 =	sld [smem:$0x3FB0]  }
0x29: {  	s4 =	sld [smem:$0x3FB2]  }
0x2a: {  	p0 =	seq.s32 s5, $0x0;
	s5 =	sld [smem:$0x3FB3]  }
0x2b: {  	s6 =	sld [smem:$0x3FB4]  }
0x2c: {  	s7 =	sld [smem:$0x3FB5]  }
0x2d: {  	s3 =	simm.s32 $0x108;
	s8 =	sld [smem:$0x3FB6]  }
0x2e: {  	s3 =	simm.s32 @!p0 $0x1082;
	s9 =	sld [smem:$0x3FB7]  }
0x2f: {  	lr =	sadd.s32 s0, s3;
	s0 =	sld [smem:$0x3FAE]  }
0x30: {  	s3 =	sld [smem:$0x3FB1]  }
0x31: {  	[smem:$0x3FBA] =	sst s10  }
0x32: {  	s10 =	sld [smem:$0x3FB8];
	_ =	sdelay $0x3  }
0x33: {  	p0 =	seq.s32 s10, $0x1;
	s10 =	sld [smem:$0x3FBA];
	_ =	sdelay $0x3  }
0x34: {  	[smem:$0x3FBA] =	sst s10  }
0x35: {  	s10 =	sld [smem:$0x3FB9];
	_ =	sdelay $0x3  }
0x36: {  	p1 =	seq.s32 s10, $0x1;
	s10 =	sld [smem:$0x3FBA];
	_ =	sdelay $0x3  }
0x37: {  	[smem:$0x3FBA] =	sst s10  }
0x38: {  	s10 =	sld [smem:$0x3FBB]  }
0x39: {  	_ = 	snop;
	(pc) =	sbr.ind lr, $3  }
0x3a: {  	_ = 	snop  }
0x3b: {  	_ = 	snop  }
0x3c: {  	p2 =	seq.s32 s10, $0x1;
	s10 =	sld [smem:$0x3FBA]  }
0x3d: {  	_ =	shalt  }
0x3e: {  	_ =	shalt  }
0x3f: {  	_ =	shalt  }
0x40: {  	_ =	shalt  }
0x41: {  	_ =	shalt  }
0x42: {  	_ =	shalt  }
0x43: {  	_ =	shalt  }
0x44: {  	_ =	shalt  }
0x45: {  	_ =	shalt  }
0x46: {  	_ =	shalt  }
0x47: {  	_ =	shalt  }
0x48: {  	_ =	shalt  }
0x49: {  	_ =	shalt  }
0x4a: {  	_ =	shalt  }
0x4b: {  	_ =	shalt  }
0x4c: {  	_ =	shalt  }
0x4d: {  	_ =	shalt  }
0x4e: {  	_ =	shalt  }
0x4f: {  	_ =	shalt  }
0x50: {  	_ =	shalt  }
0x51: {  	_ =	shalt  }
0x52: {  	_ =	shalt  }
0x53: {  	_ =	shalt  }
0x54: {  	_ =	shalt  }
0x55: {  	_ =	shalt  }
0x56: {  	_ =	shalt  }
0x57: {  	_ =	shalt  }
0x58: {  	_ =	shalt  }
0x59: {  	_ =	shalt  }
0x5a: {  	_ =	shalt  }
0x5b: {  	_ =	shalt  }
0x5c: {  	_ =	shalt  }
0x5d: {  	_ =	shalt  }
0x5e: {  	_ =	shalt  }
0x5f: {  	_ =	shalt  }
0x60: {  	_ =	shalt  }
0x61: {  	_ =	shalt  }
0x62: {  	_ =	shalt  }
0x63: {  	_ =	shalt  }
0x64: {  	_ =	shalt  }
0x65: {  	_ =	shalt  }
0x66: {  	_ =	shalt  }
0x67: {  	_ =	shalt  }
0x68: {  	_ =	shalt  }
0x69: {  	_ =	shalt  }
0x6a: {  	_ =	shalt  }
0x6b: {  	_ =	shalt  }
0x6c: {  	_ =	shalt  }
0x6d: {  	_ =	shalt  }
0x6e: {  	_ =	shalt  }
0x6f: {  	_ =	shalt  }
0x70: {  	_ =	shalt  }
0x71: {  	_ =	shalt  }
0x72: {  	_ =	shalt  }
0x73: {  	_ =	shalt  }
0x74: {  	_ =	shalt  }
0x75: {  	_ =	shalt  }
0x76: {  	_ =	shalt  }
0x77: {  	_ =	shalt  }
0x78: {  	_ =	shalt  }
0x79: {  	_ =	shalt  }
0x7a: {  	_ =	shalt  }
0x7b: {  	_ =	shalt  }
0x7c: {  	_ =	shalt  }
0x7d: {  	_ =	shalt  }
0x7e: {  	_ =	shalt  }
0x7f: {  	_ =	shalt  }
0x80: {  	_ =	shalt  }
0x81: {  	_ =	shalt  }
0x82: {  	_ =	shalt  }
0x83: {  	_ =	shalt  }
0x84: {  	_ =	shalt  }
0x85: {  	_ =	shalt  }
0x86: {  	_ =	shalt  }
0x87: {  	_ =	shalt  }
.Lfunc_end0:
.L_simem_size_0:
called_computation_lowered:
.L_overlay_start_0:
0x88: {  	s2 =	sld [smem:$0x3FD9]  }
0x89: {  	s3 =	sld [smem:$0x3FFE];
	_ =	sdelay $0x1  }
0x8a: {  	s1 =	srdreg.scid  }
0x8b: {  	s0 =	sand.u32 $0x1, s1  }
0x8c: {  	s18 =	sshll.u32 s0, $0xA;
	s2 =	sadd.s32 s3, s2  }
0x8d: {  	s2 =	sadd.s32 s2, s18  }
0x8e: {  	[smem:$0x3FC6] =	sst s2  }
0x8f: {  	_ = 	snop  }
0x90: {  	s2 =	sld [smem:$0x3FC9]  }
0x91: {  	s19 =	sld [smem:$0x3FC8]  }
0x92: {  	s4 =	sld [smem:$0x3FD0];
	(tm) =	ssettm $0x1  }
0x93: {  	s5 =	sld [smem:$0x3FFB];
	_ =	sdelay $0x3  }
0x94: {  	_ =	strace s5  }
0x95: {  	s5 =	sld [smem:$0x3FFC];
	_ =	sdelay $0x3  }
0x96: {  	_ =	strace s5  }
0x97: {  	s5 =	sld [smem:$0x3FFD];
	_ =	sdelay $0x3  }
0x98: {  	_ =	strace s5  }
0x99: {  	_ =	strace $0x8FFFFFFF  }
0x9a: {  	s20 =	sld [smem:$0x3FDB];
	_ =	sdelay $0x1  }
0x9b: {  	s6 =	simm.s32 $_scs_section_size  }
0x9c: {  	s7 =	simm.s32 $_size__tile_overlayer_lowered;
	s8 =	simm.s32 $_tile_overlayer_lowered  }
0x9d: {  	s23 =	simm.s32 $0x1BFF;
	s22 =	sshll.u32 s8, $0x1;
	s5 =	sadd.s32 s6, s20  }
0x9e: {  	s9 =	simm.s32 $0x0;
	s21 =	sshll.u32 s7, $0x1;
	s7 =	sadd.s32 s22, s5  }
0x9f: {  	[timem:s9], [sflag:s23] =	dma.local [hbm:s7], s21  }
0xa0: {  	_ =	swait.ge [sflag:s23], s21  }
0xa1: {  	s6 =	ssub.s32 $0x0, s21;
	[sflag:s23] =	ssyncset.done $0x0  }
0xa2: {  	[sflag:s23] =	ssyncadd.s32 s6;
	_ =	sdelay $0x1  }
0xa3: {  	s24 =	simm.s32 $0x1B8B  }
0xa4: {  	_ =	swait.ge [sflag:s24], $0x1  }
0xa5: {  	[sflag:s24] =	ssyncset.done $0x0  }
0xa6: {  	s25 =	simm.s32 $0x1B8E;
	[sflag:s24] =	ssyncadd.s32 $0xFFFFFFFF  }
0xa7: {  	s26 =	simm.s32 $execute0_lowered;
	[smem:$0x3FD2] =	sst s25  }
0xa8: {  	s6 =	sshll.u32 s26, $0x1;
	_ =	strace $0x80000046;
	[dreg:$0x1] =	wrdreg $0xFFFFFFFF  }
0xa9: {  	s28 =	simm.s32 $_size_execute0_lowered;
	s5 =	sadd.s32 s5, s6;
	[dreg:$0x0] =	wrdreg $0x0  }
0xaa: {  	s6 =	sshll.u32 s28, $0x1;
	[dreg:$0x2] =	wrdreg s5  }
0xab: {  	[dreg:$0x3] =	wrdreg s6  }
0xac: {  	[dreg:$0x4] =	wrdreg $0xC0  }
0xad: {  	_ =	task [dreg:s9], $0x5FFFF  }
0xae: {  	[dreg:$0x1] =	wrdreg $0xFFFFFFFF  }
0xaf: {  	[dreg:$0x0] =	wrdreg $0x60  }
0xb0: {  	[dreg:$0x2] =	wrdreg s2  }
0xb1: {  	[dreg:$0x3] =	wrdreg s19  }
0xb2: {  	[dreg:$0x4] =	wrdreg s4  }
0xb3: {  	[dreg:$0x5] =	wrdreg $0x9  }
0xb4: {  	_ =	task.clear_ibuf [dreg:s9], $0x6FFFF;
	_ =	strace $0x90000046  }
0xb5: {  	s29 =	simm.s32 $0x9;
	_ =	strace $0x80000048  }
0xb6: {  	_ =	swait.ge [sflag:s29], $0x1  }
0xb7: {  	[sflag:s29] =	ssyncadd.s32 $0xFFFFFFFF  }
0xb8: {  	_ =	strace $0x90000048  }
0xb9: {  	_ =	sfence  }
0xba: {  	s30 =	sld [smem:$0x0];
	_ =	sdelay $0x2  }
0xbb: {  	s31 =	sshll.u32 s1, $0xD;
	s1 =	sshrl.u32 s1, $0x2  }
0xbc: {  	s3 =	sand.u32 $0x4000, s31;
	s1 =	sadd.s32 s1, s30  }
0xbd: {  	s0 =	sor.u32 s3, s0;
	s1 =	sshll.u32 s1, $0x11  }
0xbe: {  	s0 =	sor.u32 s1, s0  }
0xbf: {  	s0 =	sadd.s32 $0x8F2B, s0  }
0xc0: {  	[sflag:s0] =	ssyncadd.remote.s32 $0x1  }
0xc1: {  	_ =	sfence.sel $0xFFFF  }
0xc2: {  	[dreg:$0x0] =	wrdreg $0xFFFFFFFF;
	(pc) =	sbr.abs _section_cstart, $3  }
0xc3: {  	[dreg:$0x1] =	wrdreg $0xFFFFFFFF  }
0xc4: {  	_ =	task.clear_ibuf [dreg:s9], $0x2FFFF;
	_ =	strace $0x9FFFFFFF  }
0xc5: {  	(tm) =	ssettm $0x7FFFFFFF  }
tec
execute0_lowered:
.L_overlay_start_1:
0x0: {  	(tag) =	ssettag $0x1  }
0x1: {  	s2 =	rddreg [dreg:$0x0]  }
0x2: {  	s1 =	srdreg.scid;
	s3 =	rddreg [dreg:$0x1]  }
0x3: {  	s0 =	stileid.u32;
	s5 =	rddreg [dreg:$0x2]  }
0x4: {  	s6 =	simm.s32 $0x0;
	s15 =	simm.s32 $0x18700;
	s16 =	simm.s32 $0x3  }
0x5: {  	s17 =	simm.s32 $0x19700;
	s8 =	sand.u32 $0x1, s1;
	s26 =	sshll.u32 s0, $0x1  }
0x6: {  	s18 =	simm.s32 $0x1;
	s19 =	simm.s32 $0x2;
	s9 =	sor.u32 s8, s26  }
0x7: {  	s20 =	simm.s32 $0x0;
	s1 =	rddreg [dreg:$0x3];
	s4 =	smul.u32 $0xD, s9  }
0x8: {  	[smem:$0x7FF] =	sst s6;
	p0 =	sgt.u32 s0, $0x1;
	s8 =	ssub.s32 $0x2, s8  }
0x9: {  	_ =	strace $0x80000047;
	s13 =	sshrl.u32 s8, $0x1;
	s7 =	sand.u32 $0x8, s4  }
0xa: {  	s29 =	sshll.u32 s9, $0x4;
	s13 =	ssub.s32 s8, s13;
	s10 =	sshrl.u32 s7, $0x3  }
0xb: {  	s9 =	sadd.s32 s29, s2;
	s7 =	sshrl.u32 s4, $0x4;
	s10 =	smul.u32 $0xC3800, s10  }
0xc: {  	s11 =	sshll.u32 s4, $0x7;
	s9 =	sadd.s32 $0x3020, s9;
	s12 =	smul.u32 $0x30E00, s7  }
0xd: {  	s30 =	sshll.u32 s4, $0x5;
	s31 =	sand.u32 $0x70, s4;
	s11 =	sand.u32 $0x380, s11  }
0xe: {  	s14 =	sand.u32 $0x3000, s30;
	s10 =	sor.u32 s11, s10;
	s28 =	sadd.s32 s3, s12  }
0xf: {  	s12 =	sadd.s32 s29, s5;
	s11 =	sadd.s32 s2, s31;
	s10 =	sshrl.u32 s10, $0x3  }
0x10: {  	s11 =	sadd.s32 s14, s11;
	s14 =	simm.s32 $0x400;
	s8 =	sadd.s32 s10, s28  }
0x11: {  	s10 =	sadd.s32 $0x34000, s12;
	s12 =	smax.u32 s13, $0x1;
	s13 =	simm.s32 $0x80  }
.LBB2_1:
.Ltmp0:
0x12: {  	(pc) =	sbr.rel @p0 .LBB2_5-.Ltmp0, $2  }
0x13: {  	_ =	sdelay $0x2  }
0x14: {  	[tilespmem:s6], [sflag:$0x1] =	stream.strided.gather [hbm4b:s8+s13], $0x18700, s14, s13, $0x38;
	[tilespmem:$0x1A700] =	vst v63  }
0x15: {  	[tilespmem:s15], [sflag:$0x3] =	stream.strided.gather [hbm4b:s9+s13], $0x1000, s14, s13, $0x38;
	[tilespmem:$0x1A700] =	vst v63  }
0x16: {  	_ =	swait.ge [sflag:s16], $0x1000  }
0x17: {  	[sflag:s16] =	ssyncset.done $0x0  }
0x18: {  	s22 =	simm.s32 $0x18780;
	[sflag:s16] =	ssyncadd.s32 $0xFFFFF000  }
0x19: {  	v0 =	vld [tilespmem:s22+$0xFFFFFF80];
	_ =	sdelay $0x4  }
0x1a: {  	v0 =	vcvt.s32.f32 v0  }
0x1b: {  	s21 =	simm.s32 $0x19780  }
0x1c: {  	[tilespmem:s21+$0xFFFFFF80] =	vst v0  }
0x1d: {  	v0 =	vld [tilespmem:s22+$0xFFFFFF90];
	_ =	sdelay $0x4  }
0x1e: {  	v0 =	vcvt.s32.f32 v0;
	_ =	sdelay $0x1  }
0x1f: {  	[tilespmem:s21+$0xFFFFFF90] =	vst v0  }
0x20: {  	v0 =	vld [tilespmem:s22+$0xFFFFFFA0];
	_ =	sdelay $0x4  }
0x21: {  	v0 =	vcvt.s32.f32 v0;
	_ =	sdelay $0x1  }
0x22: {  	[tilespmem:s21+$0xFFFFFFA0] =	vst v0  }
0x23: {  	v0 =	vld [tilespmem:s22+$0xFFFFFFB0];
	_ =	sdelay $0x4  }
0x24: {  	v0 =	vcvt.s32.f32 v0;
	_ =	sdelay $0x1  }
0x25: {  	[tilespmem:s21+$0xFFFFFFB0] =	vst v0  }
0x26: {  	v0 =	vld [tilespmem:s22+$0xFFFFFFC0];
	_ =	sdelay $0x4  }
0x27: {  	v0 =	vcvt.s32.f32 v0;
	_ =	sdelay $0x1  }
0x28: {  	[tilespmem:s21+$0xFFFFFFC0] =	vst v0  }
0x29: {  	v0 =	vld [tilespmem:s22+$0xFFFFFFD0];
	_ =	sdelay $0x4  }
0x2a: {  	v0 =	vcvt.s32.f32 v0;
	_ =	sdelay $0x1  }
0x2b: {  	[tilespmem:s21+$0xFFFFFFD0] =	vst v0  }
0x2c: {  	v0 =	vld [tilespmem:s22+$0xFFFFFFE0];
	_ =	sdelay $0x4  }
0x2d: {  	v0 =	vcvt.s32.f32 v0;
	_ =	sdelay $0x1  }
0x2e: {  	[tilespmem:s21+$0xFFFFFFE0] =	vst v0  }
0x2f: {  	v0 =	vld [tilespmem:s22+$0xFFFFFFF0];
	_ =	sdelay $0x4  }
0x30: {  	v0 =	vcvt.s32.f32 v0;
	_ =	sdelay $0x1  }
0x31: {  	[tilespmem:s21+$0xFFFFFFF0] =	vst v0  }
0x32: {  	v0 =	vld [tilespmem:s22+$0x0];
	_ =	sdelay $0x4  }
0x33: {  	v0 =	vcvt.s32.f32 v0;
	_ =	sdelay $0x1  }
0x34: {  	[tilespmem:s21+$0x0] =	vst v0  }
0x35: {  	v0 =	vld [tilespmem:s22+$0x10];
	_ =	sdelay $0x4  }
0x36: {  	v0 =	vcvt.s32.f32 v0;
	_ =	sdelay $0x1  }
0x37: {  	[tilespmem:s21+$0x10] =	vst v0  }
0x38: {  	v0 =	vld [tilespmem:s22+$0x20];
	_ =	sdelay $0x4  }
0x39: {  	v0 =	vcvt.s32.f32 v0;
	_ =	sdelay $0x1  }
0x3a: {  	[tilespmem:s21+$0x20] =	vst v0  }
0x3b: {  	v0 =	vld [tilespmem:s22+$0x30];
	_ =	sdelay $0x4  }
0x3c: {  	v0 =	vcvt.s32.f32 v0;
	_ =	sdelay $0x1  }
0x3d: {  	[tilespmem:s21+$0x30] =	vst v0  }
0x3e: {  	v0 =	vld [tilespmem:s22+$0x40];
	_ =	sdelay $0x4  }
0x3f: {  	v0 =	vcvt.s32.f32 v0;
	_ =	sdelay $0x1  }
0x40: {  	[tilespmem:s21+$0x40] =	vst v0  }
0x41: {  	v0 =	vld [tilespmem:s22+$0x50];
	_ =	sdelay $0x4  }
0x42: {  	v0 =	vcvt.s32.f32 v0;
	_ =	sdelay $0x1  }
0x43: {  	[tilespmem:s21+$0x50] =	vst v0  }
0x44: {  	v0 =	vld [tilespmem:s22+$0x60];
	_ =	sdelay $0x4  }
0x45: {  	v0 =	vcvt.s32.f32 v0;
	_ =	sdelay $0x1  }
0x46: {  	[tilespmem:s21+$0x60] =	vst v0  }
0x47: {  	v0 =	vld [tilespmem:s22+$0x70];
	_ =	sdelay $0x4  }
0x48: {  	v0 =	vcvt.s32.f32 v0;
	_ =	sdelay $0x1  }
0x49: {  	s23 =	simm.s32 $0x18880;
	s22 =	simm.s32 $0x0;
	[tilespmem:s21+$0x70] =	vst v0  }
.LBB2_3:
0x4a: {  	v0 =	vld [tilespmem:s23+$0xFFFFFF80];
	s22 =	sadd.s32 $0x10, s22  }
0x4b: {  	p1 =	slt.u32 s22, $0xF0;
	_ =	sdelay $0x3  }
0x4c: {  	v0 =	vcvt.s32.f32 v0  }
0x4d: {  	s21 =	sadd.s32 $0x100, s21  }
0x4e: {  	[tilespmem:s21+$0xFFFFFF80] =	vst v0  }
0x4f: {  	v0 =	vld [tilespmem:s23+$0xFFFFFF90];
	_ =	sdelay $0x4  }
0x50: {  	v0 =	vcvt.s32.f32 v0;
	_ =	sdelay $0x1  }
0x51: {  	[tilespmem:s21+$0xFFFFFF90] =	vst v0  }
0x52: {  	v0 =	vld [tilespmem:s23+$0xFFFFFFA0];
	_ =	sdelay $0x4  }
0x53: {  	v0 =	vcvt.s32.f32 v0;
	_ =	sdelay $0x1  }
0x54: {  	[tilespmem:s21+$0xFFFFFFA0] =	vst v0  }
0x55: {  	v0 =	vld [tilespmem:s23+$0xFFFFFFB0];
	_ =	sdelay $0x4  }
0x56: {  	v0 =	vcvt.s32.f32 v0;
	_ =	sdelay $0x1  }
0x57: {  	[tilespmem:s21+$0xFFFFFFB0] =	vst v0  }
0x58: {  	v0 =	vld [tilespmem:s23+$0xFFFFFFC0];
	_ =	sdelay $0x4  }
0x59: {  	v0 =	vcvt.s32.f32 v0;
	_ =	sdelay $0x1  }
0x5a: {  	[tilespmem:s21+$0xFFFFFFC0] =	vst v0  }
0x5b: {  	v0 =	vld [tilespmem:s23+$0xFFFFFFD0];
	_ =	sdelay $0x4  }
0x5c: {  	v0 =	vcvt.s32.f32 v0;
	_ =	sdelay $0x1  }
0x5d: {  	[tilespmem:s21+$0xFFFFFFD0] =	vst v0  }
0x5e: {  	v0 =	vld [tilespmem:s23+$0xFFFFFFE0];
	_ =	sdelay $0x4  }
0x5f: {  	v0 =	vcvt.s32.f32 v0;
	_ =	sdelay $0x1  }
0x60: {  	[tilespmem:s21+$0xFFFFFFE0] =	vst v0  }
0x61: {  	v0 =	vld [tilespmem:s23+$0xFFFFFFF0];
	_ =	sdelay $0x4  }
0x62: {  	v0 =	vcvt.s32.f32 v0;
	_ =	sdelay $0x1  }
0x63: {  	[tilespmem:s21+$0xFFFFFFF0] =	vst v0  }
0x64: {  	v0 =	vld [tilespmem:s23+$0x0];
	_ =	sdelay $0x4  }
0x65: {  	v0 =	vcvt.s32.f32 v0;
	_ =	sdelay $0x1  }
0x66: {  	[tilespmem:s21+$0x0] =	vst v0  }
0x67: {  	v0 =	vld [tilespmem:s23+$0x10];
	_ =	sdelay $0x4  }
0x68: {  	v0 =	vcvt.s32.f32 v0;
	_ =	sdelay $0x1  }
0x69: {  	[tilespmem:s21+$0x10] =	vst v0  }
0x6a: {  	v0 =	vld [tilespmem:s23+$0x20];
	_ =	sdelay $0x4  }
0x6b: {  	v0 =	vcvt.s32.f32 v0;
	_ =	sdelay $0x1  }
0x6c: {  	[tilespmem:s21+$0x20] =	vst v0  }
0x6d: {  	v0 =	vld [tilespmem:s23+$0x30];
	_ =	sdelay $0x4  }
0x6e: {  	v0 =	vcvt.s32.f32 v0;
	_ =	sdelay $0x1  }
0x6f: {  	[tilespmem:s21+$0x30] =	vst v0  }
0x70: {  	v0 =	vld [tilespmem:s23+$0x40];
	_ =	sdelay $0x4  }
0x71: {  	v0 =	vcvt.s32.f32 v0;
	_ =	sdelay $0x1  }
0x72: {  	[tilespmem:s21+$0x40] =	vst v0  }
0x73: {  	v0 =	vld [tilespmem:s23+$0x50];
	_ =	sdelay $0x4  }
0x74: {  	v0 =	vcvt.s32.f32 v0;
	_ =	sdelay $0x1  }
0x75: {  	[tilespmem:s21+$0x50] =	vst v0  }
0x76: {  	v0 =	vld [tilespmem:s23+$0x60];
	_ =	sdelay $0x4  }
0x77: {  	v0 =	vcvt.s32.f32 v0;
	_ =	sdelay $0x1  }
0x78: {  	[tilespmem:s21+$0x60] =	vst v0  }
0x79: {  	v0 =	vld [tilespmem:s23+$0x70];
	_ =	sdelay $0x2  }
.Ltmp1:
0x7a: {  	(pc) =	sbr.rel @p1 .LBB2_3-.Ltmp1, $3  }
0x7b: {  	_ = 	snop  }
0x7c: {  	v0 =	vcvt.s32.f32 v0;
	_ =	sdelay $0x1  }
0x7d: {  	s23 =	sadd.s32 $0x100, s23;
	[tilespmem:s21+$0x70] =	vst v0  }
0x7e: {  	[hbm4b:s10+s13] =	stream.strided.scatter [tilespmem:s17], [sflag:$0x3], $0x1000, s14, s13, $0x38;
	[tilespmem:$0x1A700] =	vst v63  }
0x7f: {  	_ =	swait.ge [sflag:s16], $0x1000  }
0x80: {  	[sflag:s16] =	ssyncset.done $0x0  }
0x81: {  	[sflag:s16] =	ssyncadd.s32 $0xFFFFF000  }
.LBB2_5:
0x82: {  	[tilespmem:s15], [sflag:$0x3] =	stream.strided.gather [hbm4b:s11+s13], $0x1000, s14, s13, $0x38;
	[tilespmem:$0x1A700] =	vst v63  }
0x83: {  	_ =	swait.ge [sflag:s16], $0x1000  }
0x84: {  	[sflag:s16] =	ssyncset.done $0x0  }
0x85: {  	s22 =	simm.s32 $0x0;
	s21 =	smov.u32 s7;
	[sflag:s16] =	ssyncadd.s32 $0xFFFFF000  }
.LBB2_6:
0x86: {  	s23 =	sadd.s32 s4, s22  }
0x87: {  	s24 =	smov.u32 s21;
	s21 =	sshrl.u32 s23, $0x4  }
0x88: {  	p1 =	seq.s32 s21, s24  }
0x89: {  	s24 =	sshll.u32 @!p1 s21, $0x9;
	s25 =	sand.u32 @!p1 $0x70, s23  }
0x8a: {  	s26 =	simm.s32 @!p1 $0x400;
	s24 =	sand.u32 @!p1 $0xFFFF000, s24;
	s25 =	sadd.s32 @!p1 s2, s25  }
0x8b: {  	s28 =	simm.s32 @!p1 $0x18700;
	s24 =	sadd.s32 @!p1 s24, s25;
	s25 =	simm.s32 @!p1 $0x80  }
0x8c: {  	[tilespmem:s28], [sflag:$0x3] =	stream.strided.gather @!p1 [hbm4b:s24+s25], $0x1000, s26, s25, $0x38;
	[tilespmem:$0x1A700] =	vst v63  }
0x8d: {  	s24 =	simm.s32 @!p1 $0x3  }
0x8e: {  	_ =	swait.ge @!p1 [sflag:s24], $0x1000  }
0x8f: {  	[sflag:s24] =	ssyncset.done @!p1 $0x0  }
0x90: {  	[sflag:s24] =	ssyncadd.s32 @!p1 $0xFFFFF000  }
0x91: {  	_ =	swait.ge [sflag:s18], $0x18700  }
0x92: {  	p1 =	seq.s32 s22, $0x0;
	[sflag:s18] =	ssyncset.done $0x0  }
0x93: {  	s24 =	simm.s32 @!p1 $0x2;
	[sflag:s18] =	ssyncadd.s32 $0xFFFE7900  }
0x94: {  	_ =	swait.ge @!p1 [sflag:s24], $0x1000  }
0x95: {  	s25 =	simm.s32 $0x19780;
	[sflag:s24] =	ssyncset.done @!p1 $0x0  }
0x96: {  	s26 =	simm.s32 $0x18780;
	[sflag:s24] =	ssyncadd.s32 @!p1 $0xFFFFF000;
	s24 =	simm.s32 $0xFFFFFFF0  }
.LBB2_7:
0x97: {  	v0 =	vld [tilespmem:s26+$0xFFFFFF80];
	_ =	sdelay $0x7  }
0x98: {  	v0 =	vld.idx.msk [tilespmem:v0+s6+$0x0], $0xffff;
	_ =	sdelay $0x4  }
0x99: {  	[tilespmem:s25+$0xFFFFFF80] =	vst v0  }
0x9a: {  	v0 =	vld [tilespmem:s26+$0xFFFFFF90];
	_ =	sdelay $0x7  }
0x9b: {  	v0 =	vld.idx.msk [tilespmem:v0+s6+$0x0], $0xffff;
	_ =	sdelay $0x4  }
0x9c: {  	[tilespmem:s25+$0xFFFFFF90] =	vst v0  }
0x9d: {  	v0 =	vld [tilespmem:s26+$0xFFFFFFA0];
	_ =	sdelay $0x7  }
0x9e: {  	v0 =	vld.idx.msk [tilespmem:v0+s6+$0x0], $0xffff;
	_ =	sdelay $0x4  }
0x9f: {  	[tilespmem:s25+$0xFFFFFFA0] =	vst v0  }
0xa0: {  	v0 =	vld [tilespmem:s26+$0xFFFFFFB0];
	_ =	sdelay $0x7  }
0xa1: {  	v0 =	vld.idx.msk [tilespmem:v0+s6+$0x0], $0xffff;
	_ =	sdelay $0x4  }
0xa2: {  	[tilespmem:s25+$0xFFFFFFB0] =	vst v0  }
0xa3: {  	v0 =	vld [tilespmem:s26+$0xFFFFFFC0];
	_ =	sdelay $0x7  }
0xa4: {  	v0 =	vld.idx.msk [tilespmem:v0+s6+$0x0], $0xffff;
	_ =	sdelay $0x4  }
0xa5: {  	[tilespmem:s25+$0xFFFFFFC0] =	vst v0  }
0xa6: {  	v0 =	vld [tilespmem:s26+$0xFFFFFFD0];
	_ =	sdelay $0x7  }
0xa7: {  	v0 =	vld.idx.msk [tilespmem:v0+s6+$0x0], $0xffff;
	_ =	sdelay $0x4  }
0xa8: {  	[tilespmem:s25+$0xFFFFFFD0] =	vst v0  }
0xa9: {  	v0 =	vld [tilespmem:s26+$0xFFFFFFE0];
	_ =	sdelay $0x7  }
0xaa: {  	v0 =	vld.idx.msk [tilespmem:v0+s6+$0x0], $0xffff;
	_ =	sdelay $0x4  }
0xab: {  	[tilespmem:s25+$0xFFFFFFE0] =	vst v0  }
0xac: {  	v0 =	vld [tilespmem:s26+$0xFFFFFFF0];
	_ =	sdelay $0x7  }
0xad: {  	v0 =	vld.idx.msk [tilespmem:v0+s6+$0x0], $0xffff;
	_ =	sdelay $0x4  }
0xae: {  	[tilespmem:s25+$0xFFFFFFF0] =	vst v0  }
0xaf: {  	v0 =	vld [tilespmem:s26+$0x0];
	_ =	sdelay $0x7  }
0xb0: {  	v0 =	vld.idx.msk [tilespmem:v0+s6+$0x0], $0xffff;
	_ =	sdelay $0x4  }
0xb1: {  	[tilespmem:s25+$0x0] =	vst v0  }
0xb2: {  	v0 =	vld [tilespmem:s26+$0x10];
	_ =	sdelay $0x7  }
0xb3: {  	v0 =	vld.idx.msk [tilespmem:v0+s6+$0x0], $0xffff;
	_ =	sdelay $0x4  }
0xb4: {  	[tilespmem:s25+$0x10] =	vst v0  }
0xb5: {  	v0 =	vld [tilespmem:s26+$0x20];
	_ =	sdelay $0x7  }
0xb6: {  	v0 =	vld.idx.msk [tilespmem:v0+s6+$0x0], $0xffff;
	_ =	sdelay $0x4  }
0xb7: {  	[tilespmem:s25+$0x20] =	vst v0  }
0xb8: {  	v0 =	vld [tilespmem:s26+$0x30];
	_ =	sdelay $0x7  }
0xb9: {  	v0 =	vld.idx.msk [tilespmem:v0+s6+$0x0], $0xffff;
	_ =	sdelay $0x4  }
0xba: {  	[tilespmem:s25+$0x30] =	vst v0  }
0xbb: {  	v0 =	vld [tilespmem:s26+$0x40];
	_ =	sdelay $0x7  }
0xbc: {  	v0 =	vld.idx.msk [tilespmem:v0+s6+$0x0], $0xffff;
	_ =	sdelay $0x4  }
0xbd: {  	[tilespmem:s25+$0x40] =	vst v0  }
0xbe: {  	v0 =	vld [tilespmem:s26+$0x50];
	_ =	sdelay $0x7  }
0xbf: {  	v0 =	vld.idx.msk [tilespmem:v0+s6+$0x0], $0xffff;
	_ =	sdelay $0x4  }
0xc0: {  	[tilespmem:s25+$0x50] =	vst v0  }
0xc1: {  	v0 =	vld [tilespmem:s26+$0x60];
	_ =	sdelay $0x7  }
0xc2: {  	v0 =	vld.idx.msk [tilespmem:v0+s6+$0x0], $0xffff;
	_ =	sdelay $0x4  }
0xc3: {  	[tilespmem:s25+$0x60] =	vst v0  }
0xc4: {  	v0 =	vld [tilespmem:s26+$0x70];
	_ =	sdelay $0x6  }
0xc5: {  	s24 =	sadd.s32 $0x10, s24  }
0xc6: {  	p1 =	slt.u32 s24, $0xF0;
	v0 =	vld.idx.msk [tilespmem:v0+s6+$0x0], $0xffff  }
.Ltmp2:
0xc7: {  	_ = 	snop;
	(pc) =	sbr.rel @p1 .LBB2_7-.Ltmp2, $2  }
0xc8: {  	_ =	sdelay $0x2  }
0xc9: {  	s26 =	sadd.s32 $0x100, s26;
	[tilespmem:s25+$0x70] =	vst v0;
	s25 =	sadd.s32 $0x100, s25  }
0xca: {  	p1 =	seq.s32 s22, $0xC  }
0xcb: {  	s24 =	sadd.s32 @!p1 $0x1, s23  }
0xcc: {  	s25 =	sand.u32 @!p1 $0x8, s24  }
0xcd: {  	s25 =	sshrl.u32 @!p1 s25, $0x3  }
0xce: {  	s26 =	sshrl.u32 @!p1 s24, $0x4;
	s24 =	sshll.u32 @!p1 s24, $0x7;
	s25 =	smul.u32 @!p1 $0xC3800, s25  }
0xcf: {  	s26 =	smul.u32 @!p1 $0x30E00, s26;
	s24 =	sand.u32 @!p1 $0x380, s24  }
0xd0: {  	s22 =	sadd.s32 $0x1, s22;
	s24 =	sor.u32 @!p1 s24, s25  }
0xd1: {  	s28 =	simm.s32 @!p1 $0x0;
	s25 =	sadd.s32 @!p1 s3, s26;
	s24 =	sshrl.u32 @!p1 s24, $0x3  }
0xd2: {  	s26 =	simm.s32 @!p1 $0x400;
	s24 =	sadd.s32 @!p1 s24, s25;
	s25 =	simm.s32 @!p1 $0x80  }
0xd3: {  	[tilespmem:s28], [sflag:$0x1] =	stream.strided.gather @!p1 [hbm4b:s24+s25], $0x18700, s26, s25, $0x38;
	[tilespmem:$0x1A700] =	vst v63  }
0xd4: {  	p1 =	sne.s32 s22, $0xD  }
.Ltmp3:
0xd5: {  	s30 =	sshll.u32 s23, $0x4;
	(pc) =	sbr.rel @p1 .LBB2_6-.Ltmp3, $4  }
0xd6: {  	s31 =	sshll.u32 s23, $0x9;
	s24 =	sand.u32 $0x70, s30  }
0xd7: {  	s23 =	sand.u32 $0xFFFF000, s31;
	s24 =	sadd.s32 s5, s24  }
0xd8: {  	s23 =	sadd.s32 s23, s24  }
0xd9: {  	[hbm4b:s23+s13] =	stream.strided.scatter [tilespmem:s17], [sflag:$0x2], $0x1000, s14, s13, $0x38;
	[tilespmem:$0x1A700] =	vst v63  }
0xda: {  	s20 =	sadd.s32 $0x1, s20  }
0xdb: {  	p1 =	sne.s32 s20, s12  }
.Ltmp4:
0xdc: {  	_ = 	snop;
	(pc) =	sbr.rel @p1 .LBB2_1-.Ltmp4, $4  }
0xdd: {  	_ = 	snop  }
0xde: {  	_ =	swait.ge [sflag:s19], $0x1000  }
0xdf: {  	[sflag:s19] =	ssyncset.done $0x0  }
0xe0: {  	[sflag:s19] =	ssyncadd.s32 $0xFFFFF000  }
0xe1: {  	_ =	sfence.sel $0x180000  }
0xe2: {  	[bflag:$0x0] =	sbarrier.arrive $0xFFFF  }
0xe3: {  	p0 =	sne.s32 s0, $0x0;
	_ =	strace $0x90000047  }
0xe4: {  	s0 =	sadd.s32 @!p0 $0x100000, s1;
	[bflag:$0x2] =	sbarrier.arrive $0xFFFF  }
0xe5: {  	[sflag:s0] =	ssyncadd.tile.s32 @!p0 $0x1;
	_ =	shalt  }
.Lfunc_end2:
_tile_overlayer_lowered:
.L_overlay_start_2:
0xe6: {  	(tag) =	ssettag $0x2  }
0xe7: {  	s0 =	rddreg [dreg:$0x0];
	s2 =	stileid.u32  }
0xe8: {  	s1 =	rddreg [dreg:$0x1];
	p0 =	sne.s32 s2, $0x0  }
0xe9: {  	s3 =	rddreg [dreg:$0x2];
	[bflag:$0x3] =	sbarrier.arrive $0xFFFF;
	s2 =	simm.s32 @!p0 $0x1C03  }
0xea: {  	[timem:s3], [sflag:s2] =	dma.local @!p0 [hbm:s0], s1  }
0xeb: {  	s0 =	simm.s32 @!p0 $0x3  }
0xec: {  	_ =	swait.ge @!p0 [sflag:s0], s1  }
0xed: {  	s1 =	ssub.s32 @!p0 $0x0, s1;
	[sflag:s0] =	ssyncset.done @!p0 $0x0  }
0xee: {  	[sflag:s0] =	ssyncadd.s32 @!p0 s1  }
0xef: {  	[bflag:$0x3] =	sbarrier.arrive $0xFFFF  }
0xf0: {  	_ =	shalt  }

</sc_bundles>
